<compile_context>
chip_gen: v7x
topology: tpu7x:2x2x1
jax: 0.10.2.dev20260603
libtpu: 0.0.44.dev20260713+nightly
codegen_flags: <defaults>
</compile_context>

<pallas_src>
import jax
import jax.numpy as jnp
from jax import lax
from jax.experimental import pallas as pl
from jax.experimental.pallas import tpu as pltpu


def _mm_cmaj(A, P, bias, tn=8192):
    K, O = A.shape
    _, NC = P.shape
    grid = NC // tn

    def body(a_ref, p_ref, b_ref, o_ref):
        o_ref[...] = lax.dot_general(
            a_ref[...], p_ref[...], (((0,), (0,)), ((), ())),
            preferred_element_type=jnp.float32) + b_ref[...]

    return pl.pallas_call(
        body,
        grid=(grid,),
        in_specs=[
            pl.BlockSpec((K, O), lambda i: (0, 0)),
            pl.BlockSpec((K, tn), lambda i: (0, i)),
            pl.BlockSpec((O, 1), lambda i: (0, 0)),
        ],
        out_specs=pl.BlockSpec((O, tn), lambda i: (0, i)),
        out_shape=jax.ShapeDtypeStruct((O, NC), jnp.float32),
    )(A, P, bias)


def _conv3x3_cmaj(xc, W, b, tn=8192):
    C, B, H, Wd = xc.shape
    O = W.shape[0]
    xp = jnp.pad(xc, ((0, 0), (0, 0), (1, 1), (1, 1)))
    P = jnp.stack([xp[:, :, dy:dy + H, dx:dx + Wd]
                   for dy in range(3) for dx in range(3)], 0)
    P = P.reshape(9 * C, B * H * Wd)
    Wf = W.transpose(2, 3, 1, 0).reshape(9 * C, O)
    return _mm_cmaj(Wf, P, b.reshape(O, 1), tn=tn)


def _convnn(yt, Wf, bias, K=9):
    B, N, C = yt.shape
    KC, Oss = Wf.shape

    def body(yt_ref, w_ref, b_ref, o_ref):
        ytb = yt_ref[0]
        sim = lax.dot_general(ytb, ytb, (((1,), (1,)), ((), ())),
                              preferred_element_type=jnp.float32)
        col = lax.broadcasted_iota(jnp.int32, (N, N), 1)
        big = jnp.int32(2**30)
        gs = []
        for k in range(K):
            m = jnp.max(sim, axis=1, keepdims=True)
            cand = jnp.where(sim == m, col, big)
            amin = jnp.min(cand, axis=1, keepdims=True)
            oh = col == amin
            gs.append(lax.dot_general(oh.astype(jnp.float32), ytb,
                                      (((1,), (0,)), ((), ())),
                                      preferred_element_type=jnp.float32))
            if k < K - 1:
                sim = jnp.where(oh, -jnp.inf, sim)
        G = jnp.concatenate(gs, axis=1)
        o_ref[0] = lax.dot_general(G, w_ref[...], (((1,), (0,)), ((), ())),
                                   preferred_element_type=jnp.float32) + b_ref[...]

    return pl.pallas_call(
        body,
        grid=(B,),
        in_specs=[
            pl.BlockSpec((1, N, C), lambda i: (i, 0, 0)),
            pl.BlockSpec((KC, Oss), lambda i: (0, 0)),
            pl.BlockSpec((1, Oss), lambda i: (0, 0)),
        ],
        out_specs=pl.BlockSpec((1, N, Oss), lambda i: (i, 0, 0)),
        out_shape=jax.ShapeDtypeStruct((B, N, Oss), jnp.float32),
    )(yt, Wf, bias)


def _fc_head(h, Wfc1, bfc1, Wfc2, bfc2, tk=2048):
    B, F = h.shape
    H1 = Wfc1.shape[0]
    O = Wfc2.shape[0]
    steps = F // tk

    def body(h_ref, w1_ref, b1_ref, w2_ref, b2_ref, o_ref, acc):
        i = pl.program_id(0)

        @pl.when(i == 0)
        def _init():
            acc[...] = jnp.zeros_like(acc)

        acc[...] += lax.dot_general(h_ref[...], w1_ref[...],
                                    (((1,), (1,)), ((), ())),
                                    preferred_element_type=jnp.float32)

        @pl.when(i == steps - 1)
        def _fin():
            r = jnp.maximum(acc[...] + b1_ref[...], 0.0)
            o_ref[...] = lax.dot_general(r, w2_ref[...],
                                         (((1,), (1,)), ((), ())),
                                         preferred_element_type=jnp.float32) + b2_ref[...]

    return pl.pallas_call(
        body,
        grid=(steps,),
        in_specs=[
            pl.BlockSpec((B, tk), lambda i: (0, i)),
            pl.BlockSpec((H1, tk), lambda i: (0, i)),
            pl.BlockSpec((1, H1), lambda i: (0, 0)),
            pl.BlockSpec((O, H1), lambda i: (0, 0)),
            pl.BlockSpec((1, O), lambda i: (0, 0)),
        ],
        out_specs=pl.BlockSpec((B, O), lambda i: (0, 0)),
        out_shape=jax.ShapeDtypeStruct((B, O), jnp.float32),
        scratch_shapes=[pltpu.VMEM((B, H1), jnp.float32)],
    )(h, Wfc1, bfc1.reshape(1, H1), Wfc2, bfc2.reshape(1, O))


def _unshuffle_cmaj(xc, s=2):
    C, B, H, W = xc.shape
    y = xc.reshape(C, B, H // s, s, W // s, s).transpose(0, 3, 5, 1, 2, 4)
    y = y.reshape(C * s * s, B, (H // s) * (W // s))
    return y.transpose(1, 2, 0)


def _shuffle_cmaj(o2, Hh, Wh, s=2):
    B, N, Oss = o2.shape
    O = Oss // (s * s)
    z = o2.reshape(B, Hh, Wh, O, s, s).transpose(3, 0, 1, 4, 2, 5)
    return z.reshape(O, B * Hh * s * Wh * s)


def _branch_layer(xc, Wc, bc, Wn, bn, Wp, bp, K=9, s=2):
    C, B, H, W = xc.shape
    b1 = _conv3x3_cmaj(xc, Wc, bc)
    yt = _unshuffle_cmaj(xc, s)
    Oss, Css, _ = Wn.shape
    Wnf = Wn.transpose(2, 1, 0).reshape(K * Css, Oss)
    o2 = _convnn(yt, Wnf, bn.reshape(1, Oss), K=K)
    b2 = _shuffle_cmaj(o2, H // s, W // s, s)
    cat = jnp.concatenate([b1, b2], axis=0)
    O2 = Wp.shape[0]
    Wpm = Wp.reshape(O2, Wp.shape[1]).transpose(1, 0)
    return _mm_cmaj(Wpm, cat, bp.reshape(O2, 1))


def kernel(x, W1_conv, b1_conv, W1_nn, b1_nn, W1_pw, b1_pw,
           W2_conv, b2_conv, W2_nn, b2_nn, W2_pw, b2_pw,
           Wfc1, bfc1, Wfc2, bfc2):
    B = x.shape[0]
    xc = x.transpose(1, 0, 2, 3)
    h1 = _branch_layer(xc, W1_conv, b1_conv, W1_nn, b1_nn, W1_pw, b1_pw)
    h1 = h1.reshape(16, B, 32, 32)
    h2 = _branch_layer(h1, W2_conv, b2_conv, W2_nn, b2_nn, W2_pw, b2_pw)
    h = h2.reshape(32, B, 1024).transpose(1, 0, 2).reshape(B, 32 * 1024)
    return _fc_head(h, Wfc1, bfc1, Wfc2, bfc2)

# --- scband reference (transcript-rebuilt; emitter-appended) ---
"""Pipeline reference for scband-b-conv2d-conv-nn-k-all-20435454394602 (READ-ONLY COPY).

The authoritative reference and input builder live on the scoring server;
editing this copy changes nothing except your own understanding.
"""

import jax, jax.numpy as jnp
import numpy as np


def pixel_unshuffle(x, s):
    B, C, H, W = x.shape
    x = x.reshape(B, C, H // s, s, W // s, s)
    x = x.transpose(0, 1, 3, 5, 2, 4)
    return x.reshape(B, C * s * s, H // s, W // s)


def pixel_shuffle(x, s):
    B, Cs, H, W = x.shape
    C = Cs // (s * s)
    x = x.reshape(B, C, s, s, H, W)
    x = x.transpose(0, 1, 4, 2, 5, 3)
    return x.reshape(B, C, H * s, W * s)


def conv2d_same(x, w, b):
    y = jax.lax.conv_general_dilated(x, w, (1, 1), 'SAME', dimension_numbers=('NCHW', 'OIHW', 'NCHW'))
    return y + b[None, :, None, None]


def convnn_all(x, Wn, bn, K, s):
    # pixel-unshuffle (shuffle_pattern 'BA': before), then K-NN retrieval over ALL spatial positions
    y = pixel_unshuffle(x, s)
    B, C, H, W = y.shape
    N = H * W
    yf = y.reshape(B, C, N)
    # all-pairs similarity (dot product) -> K nearest neighbors per position (samples='all')
    sim = jnp.einsum('bcn,bcm->bnm', yf, yf)
    _, idx = jax.lax.top_k(sim, K)  # [B, N, K]
    yt = yf.transpose(0, 2, 1)  # [B, N, C]
    neighbors = jax.vmap(lambda t, i: t[i])(yt, idx)  # [B, N, K, C]
    out = jnp.einsum('bnkc,ock->bno', neighbors, Wn) + bn[None, None, :]
    out = out.transpose(0, 2, 1).reshape(B, Wn.shape[0], H, W)
    return pixel_shuffle(out, s)


def branching(x, Wc, bc, Wn, bn, Wp, bp, K, s):
    b1 = conv2d_same(x, Wc, bc)
    b2 = convnn_all(x, Wn, bn, K, s)
    cat = jnp.concatenate([b1, b2], axis=1)
    return conv2d_same(cat, Wp, bp)


def setup_inputs(seed: int = 0) -> dict:
    key = jax.random.key(seed)
    ks = jax.random.split(key, 20)
    B, s, K = 256, 2, 9
    x = jax.random.normal(ks[0], (B, 3, 32, 32), jnp.float32)
    # layer1: in 3 -> out 16, ratio (16,16)
    W1_conv = jax.random.normal(ks[1], (16, 3, 3, 3), jnp.float32) * 0.1
    b1_conv = jnp.zeros((16,), jnp.float32)
    W1_nn = jax.random.normal(ks[2], (16 * s * s, 3 * s * s, K), jnp.float32) * 0.1
    b1_nn = jnp.zeros((16 * s * s,), jnp.float32)
    W1_pw = jax.random.normal(ks[3], (16, 32, 1, 1), jnp.float32) * 0.1
    b1_pw = jnp.zeros((16,), jnp.float32)
    # layer2: in 16 -> out 32, ratio (32,32)
    W2_conv = jax.random.normal(ks[4], (32, 16, 3, 3), jnp.float32) * 0.05
    b2_conv = jnp.zeros((32,), jnp.float32)
    W2_nn = jax.random.normal(ks[5], (32 * s * s, 16 * s * s, K), jnp.float32) * 0.05
    b2_nn = jnp.zeros((32 * s * s,), jnp.float32)
    W2_pw = jax.random.normal(ks[6], (32, 64, 1, 1), jnp.float32) * 0.05
    b2_pw = jnp.zeros((32,), jnp.float32)
    Wfc1 = jax.random.normal(ks[7], (1024, 32768), jnp.float32) * 0.005
    bfc1 = jnp.zeros((1024,), jnp.float32)
    Wfc2 = jax.random.normal(ks[8], (10, 1024), jnp.float32) * 0.03
    bfc2 = jnp.zeros((10,), jnp.float32)
    return {"x": x, "W1_conv": W1_conv, "b1_conv": b1_conv, "W1_nn": W1_nn, "b1_nn": b1_nn, "W1_pw": W1_pw, "b1_pw": b1_pw, "W2_conv": W2_conv, "b2_conv": b2_conv, "W2_nn": W2_nn, "b2_nn": b2_nn, "W2_pw": W2_pw, "b2_pw": b2_pw, "Wfc1": Wfc1, "bfc1": bfc1, "Wfc2": Wfc2, "bfc2": bfc2}


def reference(x, W1_conv, b1_conv, W1_nn, b1_nn, W1_pw, b1_pw, W2_conv, b2_conv, W2_nn, b2_nn, W2_pw, b2_pw, Wfc1, bfc1, Wfc2, bfc2):
    K, s = 9, 2
    h = branching(x, W1_conv, b1_conv, W1_nn, b1_nn, W1_pw, b1_pw, K, s)
    h = branching(h, W2_conv, b2_conv, W2_nn, b2_nn, W2_pw, b2_pw, K, s)
    h = h.reshape(h.shape[0], -1)  # [B, 32768]
    h = jax.nn.relu(h @ Wfc1.T + bfc1)
    out = h @ Wfc2.T + bfc2
    return out

if __name__ == "__main__":
    import jax
    _d = setup_inputs()
    print(jax.jit(kernel)(*tuple(_d.values())))

</pallas_src>

<mosaic_0001>
module attributes {stable_mosaic.version = 14 : i64} {
  func.func @body(%arg0: i32, %arg1: memref<1x256x12xf32, #tpu.memory_space<vmem>>, %arg2: memref<108x64xf32, #tpu.memory_space<vmem>>, %arg3: memref<1x64xf32, #tpu.memory_space<vmem>>, %arg4: memref<1x256x64xf32, #tpu.memory_space<vmem>>) attributes {dimension_semantics = [#tpu.dimension_semantics<arbitrary>], iteration_bounds = array<i64: 256>, scalar_prefetch = 0 : i64, scratch_operands = 0 : i64, tpu.core_type = #tpu.core_type<tc>, window_params = [{transform_indices = @transform_0, window_bounds = array<i64: 1, 256, 12>}, {pipeline_mode = #tpu.pipeline_mode<synchronous>, transform_indices = @transform_1, window_bounds = array<i64: 108, 64>}, {pipeline_mode = #tpu.pipeline_mode<synchronous>, transform_indices = @transform_2, window_bounds = array<i64: 1, 64>}, {transform_indices = @transform_3, window_bounds = array<i64: 1, 256, 64>}]} {
    %get3A = arith.constant 0 : index
    %get3A_0 = arith.constant 0 : index
    %get3A_1 = arith.constant 0 : index
    %get3A_2 = vector.load %arg1[%get3A, %get3A_0, %get3A_1] : memref<1x256x12xf32, #tpu.memory_space<vmem>>, vector<1x256x12xf32>
    %get3A_3 = vector.shape_cast %get3A_2 : vector<1x256x12xf32> to vector<256x12xf32>
    %dot_general3A = arith.constant dense<0.000000e+00> : vector<256x256xf32>
    %dot_general3A_4 = tpu.matmul %get3A_3, %get3A_3, %dot_general3A {dimension_numbers = #tpu.dot_dimension_numbers<[1], [1], [0], [0], [0, 0, 1, 0], [], []>, transpose_lhs_hint = false} : vector<256x12xf32>, vector<256x12xf32>, vector<256x256xf32> -> vector<256x256xf32>
    %iota3A = tpu.iota {dimensions = array<i32: 1>} : vector<256x256xi32>
    %reduce_max3A = arith.constant dense<0xFF800000> : vector<256xf32>
    %reduce_max3A_5 = vector.multi_reduction <maximumf>, %dot_general3A_4, %reduce_max3A [1] : vector<256x256xf32> to vector<256xf32>
    %broadcast_in_dim3A = vector.shape_cast %reduce_max3A_5 : vector<256xf32> to vector<256x1xf32>
    %eq3A = vector.broadcast %broadcast_in_dim3A : vector<256x1xf32> to vector<256x256xf32>
    %eq3A_6 = arith.cmpf oeq, %dot_general3A_4, %eq3A : vector<256x256xf32>
    %jit3A = arith.constant 1073741824 : i32
    %broadcast_in_dim3A_7 = vector.broadcast %jit3A : i32 to vector<256x256xi32>
    %select_n3A = arith.select %eq3A_6, %iota3A, %broadcast_in_dim3A_7 : vector<256x256xi1>, vector<256x256xi32>
    %reduce_min3A = arith.constant dense<2147483647> : vector<256xi32>
    %reduce_min3A_8 = vector.multi_reduction <minsi>, %select_n3A, %reduce_min3A [1] : vector<256x256xi32> to vector<256xi32>
    %broadcast_in_dim3A_9 = vector.shape_cast %reduce_min3A_8 : vector<256xi32> to vector<256x1xi32>
    %eq3A_10 = vector.broadcast %broadcast_in_dim3A_9 : vector<256x1xi32> to vector<256x256xi32>
    %eq3A_11 = arith.cmpi eq, %iota3A, %eq3A_10 : vector<256x256xi32>
    %convert_element_type3A = arith.extui %eq3A_11 : vector<256x256xi1> to vector<256x256xi32>
    %convert_element_type3A_12 = arith.sitofp %convert_element_type3A : vector<256x256xi32> to vector<256x256xf32>
    %dot_general3A_13 = arith.constant dense<0.000000e+00> : vector<256x12xf32>
    %dot_general3A_14 = tpu.matmul %convert_element_type3A_12, %get3A_3, %dot_general3A_13 {dimension_numbers = #tpu.dot_dimension_numbers<[1], [0], [0], [1], [0, 0, 1, 1], [], []>, transpose_lhs_hint = false} : vector<256x256xf32>, vector<256x12xf32>, vector<256x12xf32> -> vector<256x12xf32>
    %jit3A_15 = arith.constant 0xFF800000 : f32
    %broadcast_in_dim3A_16 = vector.broadcast %jit3A_15 : f32 to vector<256x256xf32>
    %select_n3A_17 = arith.select %eq3A_11, %broadcast_in_dim3A_16, %dot_general3A_4 : vector<256x256xi1>, vector<256x256xf32>
    %reduce_max3A_18 = arith.constant dense<0xFF800000> : vector<256xf32>
    %reduce_max3A_19 = vector.multi_reduction <maximumf>, %select_n3A_17, %reduce_max3A_18 [1] : vector<256x256xf32> to vector<256xf32>
    %broadcast_in_dim3A_20 = vector.shape_cast %reduce_max3A_19 : vector<256xf32> to vector<256x1xf32>
    %eq3A_21 = vector.broadcast %broadcast_in_dim3A_20 : vector<256x1xf32> to vector<256x256xf32>
    %eq3A_22 = arith.cmpf oeq, %select_n3A_17, %eq3A_21 : vector<256x256xf32>
    %jit3A_23 = arith.constant 1073741824 : i32
    %broadcast_in_dim3A_24 = vector.broadcast %jit3A_23 : i32 to vector<256x256xi32>
    %select_n3A_25 = arith.select %eq3A_22, %iota3A, %broadcast_in_dim3A_24 : vector<256x256xi1>, vector<256x256xi32>
    %reduce_min3A_26 = arith.constant dense<2147483647> : vector<256xi32>
    %reduce_min3A_27 = vector.multi_reduction <minsi>, %select_n3A_25, %reduce_min3A_26 [1] : vector<256x256xi32> to vector<256xi32>
    %broadcast_in_dim3A_28 = vector.shape_cast %reduce_min3A_27 : vector<256xi32> to vector<256x1xi32>
    %eq3A_29 = vector.broadcast %broadcast_in_dim3A_28 : vector<256x1xi32> to vector<256x256xi32>
    %eq3A_30 = arith.cmpi eq, %iota3A, %eq3A_29 : vector<256x256xi32>
    %convert_element_type3A_31 = arith.extui %eq3A_30 : vector<256x256xi1> to vector<256x256xi32>
    %convert_element_type3A_32 = arith.sitofp %convert_element_type3A_31 : vector<256x256xi32> to vector<256x256xf32>
    %dot_general3A_33 = arith.constant dense<0.000000e+00> : vector<256x12xf32>
    %dot_general3A_34 = tpu.matmul %convert_element_type3A_32, %get3A_3, %dot_general3A_33 {dimension_numbers = #tpu.dot_dimension_numbers<[1], [0], [0], [1], [0, 0, 1, 1], [], []>, transpose_lhs_hint = false} : vector<256x256xf32>, vector<256x12xf32>, vector<256x12xf32> -> vector<256x12xf32>
    %jit3A_35 = arith.constant 0xFF800000 : f32
    %broadcast_in_dim3A_36 = vector.broadcast %jit3A_35 : f32 to vector<256x256xf32>
    %select_n3A_37 = arith.select %eq3A_30, %broadcast_in_dim3A_36, %select_n3A_17 : vector<256x256xi1>, vector<256x256xf32>
    %reduce_max3A_38 = arith.constant dense<0xFF800000> : vector<256xf32>
    %reduce_max3A_39 = vector.multi_reduction <maximumf>, %select_n3A_37, %reduce_max3A_38 [1] : vector<256x256xf32> to vector<256xf32>
    %broadcast_in_dim3A_40 = vector.shape_cast %reduce_max3A_39 : vector<256xf32> to vector<256x1xf32>
    %eq3A_41 = vector.broadcast %broadcast_in_dim3A_40 : vector<256x1xf32> to vector<256x256xf32>
    %eq3A_42 = arith.cmpf oeq, %select_n3A_37, %eq3A_41 : vector<256x256xf32>
    %jit3A_43 = arith.constant 1073741824 : i32
    %broadcast_in_dim3A_44 = vector.broadcast %jit3A_43 : i32 to vector<256x256xi32>
    %select_n3A_45 = arith.select %eq3A_42, %iota3A, %broadcast_in_dim3A_44 : vector<256x256xi1>, vector<256x256xi32>
    %reduce_min3A_46 = arith.constant dense<2147483647> : vector<256xi32>
    %reduce_min3A_47 = vector.multi_reduction <minsi>, %select_n3A_45, %reduce_min3A_46 [1] : vector<256x256xi32> to vector<256xi32>
    %broadcast_in_dim3A_48 = vector.shape_cast %reduce_min3A_47 : vector<256xi32> to vector<256x1xi32>
    %eq3A_49 = vector.broadcast %broadcast_in_dim3A_48 : vector<256x1xi32> to vector<256x256xi32>
    %eq3A_50 = arith.cmpi eq, %iota3A, %eq3A_49 : vector<256x256xi32>
    %convert_element_type3A_51 = arith.extui %eq3A_50 : vector<256x256xi1> to vector<256x256xi32>
    %convert_element_type3A_52 = arith.sitofp %convert_element_type3A_51 : vector<256x256xi32> to vector<256x256xf32>
    %dot_general3A_53 = arith.constant dense<0.000000e+00> : vector<256x12xf32>
    %dot_general3A_54 = tpu.matmul %convert_element_type3A_52, %get3A_3, %dot_general3A_53 {dimension_numbers = #tpu.dot_dimension_numbers<[1], [0], [0], [1], [0, 0, 1, 1], [], []>, transpose_lhs_hint = false} : vector<256x256xf32>, vector<256x12xf32>, vector<256x12xf32> -> vector<256x12xf32>
    %jit3A_55 = arith.constant 0xFF800000 : f32
    %broadcast_in_dim3A_56 = vector.broadcast %jit3A_55 : f32 to vector<256x256xf32>
    %select_n3A_57 = arith.select %eq3A_50, %broadcast_in_dim3A_56, %select_n3A_37 : vector<256x256xi1>, vector<256x256xf32>
    %reduce_max3A_58 = arith.constant dense<0xFF800000> : vector<256xf32>
    %reduce_max3A_59 = vector.multi_reduction <maximumf>, %select_n3A_57, %reduce_max3A_58 [1] : vector<256x256xf32> to vector<256xf32>
    %broadcast_in_dim3A_60 = vector.shape_cast %reduce_max3A_59 : vector<256xf32> to vector<256x1xf32>
    %eq3A_61 = vector.broadcast %broadcast_in_dim3A_60 : vector<256x1xf32> to vector<256x256xf32>
    %eq3A_62 = arith.cmpf oeq, %select_n3A_57, %eq3A_61 : vector<256x256xf32>
    %jit3A_63 = arith.constant 1073741824 : i32
    %broadcast_in_dim3A_64 = vector.broadcast %jit3A_63 : i32 to vector<256x256xi32>
    %select_n3A_65 = arith.select %eq3A_62, %iota3A, %broadcast_in_dim3A_64 : vector<256x256xi1>, vector<256x256xi32>
    %reduce_min3A_66 = arith.constant dense<2147483647> : vector<256xi32>
    %reduce_min3A_67 = vector.multi_reduction <minsi>, %select_n3A_65, %reduce_min3A_66 [1] : vector<256x256xi32> to vector<256xi32>
    %broadcast_in_dim3A_68 = vector.shape_cast %reduce_min3A_67 : vector<256xi32> to vector<256x1xi32>
    %eq3A_69 = vector.broadcast %broadcast_in_dim3A_68 : vector<256x1xi32> to vector<256x256xi32>
    %eq3A_70 = arith.cmpi eq, %iota3A, %eq3A_69 : vector<256x256xi32>
    %convert_element_type3A_71 = arith.extui %eq3A_70 : vector<256x256xi1> to vector<256x256xi32>
    %convert_element_type3A_72 = arith.sitofp %convert_element_type3A_71 : vector<256x256xi32> to vector<256x256xf32>
    %dot_general3A_73 = arith.constant dense<0.000000e+00> : vector<256x12xf32>
    %dot_general3A_74 = tpu.matmul %convert_element_type3A_72, %get3A_3, %dot_general3A_73 {dimension_numbers = #tpu.dot_dimension_numbers<[1], [0], [0], [1], [0, 0, 1, 1], [], []>, transpose_lhs_hint = false} : vector<256x256xf32>, vector<256x12xf32>, vector<256x12xf32> -> vector<256x12xf32>
    %jit3A_75 = arith.constant 0xFF800000 : f32
    %broadcast_in_dim3A_76 = vector.broadcast %jit3A_75 : f32 to vector<256x256xf32>
    %select_n3A_77 = arith.select %eq3A_70, %broadcast_in_dim3A_76, %select_n3A_57 : vector<256x256xi1>, vector<256x256xf32>
    %reduce_max3A_78 = arith.constant dense<0xFF800000> : vector<256xf32>
    %reduce_max3A_79 = vector.multi_reduction <maximumf>, %select_n3A_77, %reduce_max3A_78 [1] : vector<256x256xf32> to vector<256xf32>
    %broadcast_in_dim3A_80 = vector.shape_cast %reduce_max3A_79 : vector<256xf32> to vector<256x1xf32>
    %eq3A_81 = vector.broadcast %broadcast_in_dim3A_80 : vector<256x1xf32> to vector<256x256xf32>
    %eq3A_82 = arith.cmpf oeq, %select_n3A_77, %eq3A_81 : vector<256x256xf32>
    %jit3A_83 = arith.constant 1073741824 : i32
    %broadcast_in_dim3A_84 = vector.broadcast %jit3A_83 : i32 to vector<256x256xi32>
    %select_n3A_85 = arith.select %eq3A_82, %iota3A, %broadcast_in_dim3A_84 : vector<256x256xi1>, vector<256x256xi32>
    %reduce_min3A_86 = arith.constant dense<2147483647> : vector<256xi32>
    %reduce_min3A_87 = vector.multi_reduction <minsi>, %select_n3A_85, %reduce_min3A_86 [1] : vector<256x256xi32> to vector<256xi32>
    %broadcast_in_dim3A_88 = vector.shape_cast %reduce_min3A_87 : vector<256xi32> to vector<256x1xi32>
    %eq3A_89 = vector.broadcast %broadcast_in_dim3A_88 : vector<256x1xi32> to vector<256x256xi32>
    %eq3A_90 = arith.cmpi eq, %iota3A, %eq3A_89 : vector<256x256xi32>
    %convert_element_type3A_91 = arith.extui %eq3A_90 : vector<256x256xi1> to vector<256x256xi32>
    %convert_element_type3A_92 = arith.sitofp %convert_element_type3A_91 : vector<256x256xi32> to vector<256x256xf32>
    %dot_general3A_93 = arith.constant dense<0.000000e+00> : vector<256x12xf32>
    %dot_general3A_94 = tpu.matmul %convert_element_type3A_92, %get3A_3, %dot_general3A_93 {dimension_numbers = #tpu.dot_dimension_numbers<[1], [0], [0], [1], [0, 0, 1, 1], [], []>, transpose_lhs_hint = false} : vector<256x256xf32>, vector<256x12xf32>, vector<256x12xf32> -> vector<256x12xf32>
    %jit3A_95 = arith.constant 0xFF800000 : f32
    %broadcast_in_dim3A_96 = vector.broadcast %jit3A_95 : f32 to vector<256x256xf32>
    %select_n3A_97 = arith.select %eq3A_90, %broadcast_in_dim3A_96, %select_n3A_77 : vector<256x256xi1>, vector<256x256xf32>
    %reduce_max3A_98 = arith.constant dense<0xFF800000> : vector<256xf32>
    %reduce_max3A_99 = vector.multi_reduction <maximumf>, %select_n3A_97, %reduce_max3A_98 [1] : vector<256x256xf32> to vector<256xf32>
    %broadcast_in_dim3A_100 = vector.shape_cast %reduce_max3A_99 : vector<256xf32> to vector<256x1xf32>
    %eq3A_101 = vector.broadcast %broadcast_in_dim3A_100 : vector<256x1xf32> to vector<256x256xf32>
    %eq3A_102 = arith.cmpf oeq, %select_n3A_97, %eq3A_101 : vector<256x256xf32>
    %jit3A_103 = arith.constant 1073741824 : i32
    %broadcast_in_dim3A_104 = vector.broadcast %jit3A_103 : i32 to vector<256x256xi32>
    %select_n3A_105 = arith.select %eq3A_102, %iota3A, %broadcast_in_dim3A_104 : vector<256x256xi1>, vector<256x256xi32>
    %reduce_min3A_106 = arith.constant dense<2147483647> : vector<256xi32>
    %reduce_min3A_107 = vector.multi_reduction <minsi>, %select_n3A_105, %reduce_min3A_106 [1] : vector<256x256xi32> to vector<256xi32>
    %broadcast_in_dim3A_108 = vector.shape_cast %reduce_min3A_107 : vector<256xi32> to vector<256x1xi32>
    %eq3A_109 = vector.broadcast %broadcast_in_dim3A_108 : vector<256x1xi32> to vector<256x256xi32>
    %eq3A_110 = arith.cmpi eq, %iota3A, %eq3A_109 : vector<256x256xi32>
    %convert_element_type3A_111 = arith.extui %eq3A_110 : vector<256x256xi1> to vector<256x256xi32>
    %convert_element_type3A_112 = arith.sitofp %convert_element_type3A_111 : vector<256x256xi32> to vector<256x256xf32>
    %dot_general3A_113 = arith.constant dense<0.000000e+00> : vector<256x12xf32>
    %dot_general3A_114 = tpu.matmul %convert_element_type3A_112, %get3A_3, %dot_general3A_113 {dimension_numbers = #tpu.dot_dimension_numbers<[1], [0], [0], [1], [0, 0, 1, 1], [], []>, transpose_lhs_hint = false} : vector<256x256xf32>, vector<256x12xf32>, vector<256x12xf32> -> vector<256x12xf32>
    %jit3A_115 = arith.constant 0xFF800000 : f32
    %broadcast_in_dim3A_116 = vector.broadcast %jit3A_115 : f32 to vector<256x256xf32>
    %select_n3A_117 = arith.select %eq3A_110, %broadcast_in_dim3A_116, %select_n3A_97 : vector<256x256xi1>, vector<256x256xf32>
    %reduce_max3A_118 = arith.constant dense<0xFF800000> : vector<256xf32>
    %reduce_max3A_119 = vector.multi_reduction <maximumf>, %select_n3A_117, %reduce_max3A_118 [1] : vector<256x256xf32> to vector<256xf32>
    %broadcast_in_dim3A_120 = vector.shape_cast %reduce_max3A_119 : vector<256xf32> to vector<256x1xf32>
    %eq3A_121 = vector.broadcast %broadcast_in_dim3A_120 : vector<256x1xf32> to vector<256x256xf32>
    %eq3A_122 = arith.cmpf oeq, %select_n3A_117, %eq3A_121 : vector<256x256xf32>
    %jit3A_123 = arith.constant 1073741824 : i32
    %broadcast_in_dim3A_124 = vector.broadcast %jit3A_123 : i32 to vector<256x256xi32>
    %select_n3A_125 = arith.select %eq3A_122, %iota3A, %broadcast_in_dim3A_124 : vector<256x256xi1>, vector<256x256xi32>
    %reduce_min3A_126 = arith.constant dense<2147483647> : vector<256xi32>
    %reduce_min3A_127 = vector.multi_reduction <minsi>, %select_n3A_125, %reduce_min3A_126 [1] : vector<256x256xi32> to vector<256xi32>
    %broadcast_in_dim3A_128 = vector.shape_cast %reduce_min3A_127 : vector<256xi32> to vector<256x1xi32>
    %eq3A_129 = vector.broadcast %broadcast_in_dim3A_128 : vector<256x1xi32> to vector<256x256xi32>
    %eq3A_130 = arith.cmpi eq, %iota3A, %eq3A_129 : vector<256x256xi32>
    %convert_element_type3A_131 = arith.extui %eq3A_130 : vector<256x256xi1> to vector<256x256xi32>
    %convert_element_type3A_132 = arith.sitofp %convert_element_type3A_131 : vector<256x256xi32> to vector<256x256xf32>
    %dot_general3A_133 = arith.constant dense<0.000000e+00> : vector<256x12xf32>
    %dot_general3A_134 = tpu.matmul %convert_element_type3A_132, %get3A_3, %dot_general3A_133 {dimension_numbers = #tpu.dot_dimension_numbers<[1], [0], [0], [1], [0, 0, 1, 1], [], []>, transpose_lhs_hint = false} : vector<256x256xf32>, vector<256x12xf32>, vector<256x12xf32> -> vector<256x12xf32>
    %jit3A_135 = arith.constant 0xFF800000 : f32
    %broadcast_in_dim3A_136 = vector.broadcast %jit3A_135 : f32 to vector<256x256xf32>
    %select_n3A_137 = arith.select %eq3A_130, %broadcast_in_dim3A_136, %select_n3A_117 : vector<256x256xi1>, vector<256x256xf32>
    %reduce_max3A_138 = arith.constant dense<0xFF800000> : vector<256xf32>
    %reduce_max3A_139 = vector.multi_reduction <maximumf>, %select_n3A_137, %reduce_max3A_138 [1] : vector<256x256xf32> to vector<256xf32>
    %broadcast_in_dim3A_140 = vector.shape_cast %reduce_max3A_139 : vector<256xf32> to vector<256x1xf32>
    %eq3A_141 = vector.broadcast %broadcast_in_dim3A_140 : vector<256x1xf32> to vector<256x256xf32>
    %eq3A_142 = arith.cmpf oeq, %select_n3A_137, %eq3A_141 : vector<256x256xf32>
    %jit3A_143 = arith.constant 1073741824 : i32
    %broadcast_in_dim3A_144 = vector.broadcast %jit3A_143 : i32 to vector<256x256xi32>
    %select_n3A_145 = arith.select %eq3A_142, %iota3A, %broadcast_in_dim3A_144 : vector<256x256xi1>, vector<256x256xi32>
    %reduce_min3A_146 = arith.constant dense<2147483647> : vector<256xi32>
    %reduce_min3A_147 = vector.multi_reduction <minsi>, %select_n3A_145, %reduce_min3A_146 [1] : vector<256x256xi32> to vector<256xi32>
    %broadcast_in_dim3A_148 = vector.shape_cast %reduce_min3A_147 : vector<256xi32> to vector<256x1xi32>
    %eq3A_149 = vector.broadcast %broadcast_in_dim3A_148 : vector<256x1xi32> to vector<256x256xi32>
    %eq3A_150 = arith.cmpi eq, %iota3A, %eq3A_149 : vector<256x256xi32>
    %convert_element_type3A_151 = arith.extui %eq3A_150 : vector<256x256xi1> to vector<256x256xi32>
    %convert_element_type3A_152 = arith.sitofp %convert_element_type3A_151 : vector<256x256xi32> to vector<256x256xf32>
    %dot_general3A_153 = arith.constant dense<0.000000e+00> : vector<256x12xf32>
    %dot_general3A_154 = tpu.matmul %convert_element_type3A_152, %get3A_3, %dot_general3A_153 {dimension_numbers = #tpu.dot_dimension_numbers<[1], [0], [0], [1], [0, 0, 1, 1], [], []>, transpose_lhs_hint = false} : vector<256x256xf32>, vector<256x12xf32>, vector<256x12xf32> -> vector<256x12xf32>
    %jit3A_155 = arith.constant 0xFF800000 : f32
    %broadcast_in_dim3A_156 = vector.broadcast %jit3A_155 : f32 to vector<256x256xf32>
    %select_n3A_157 = arith.select %eq3A_150, %broadcast_in_dim3A_156, %select_n3A_137 : vector<256x256xi1>, vector<256x256xf32>
    %reduce_max3A_158 = arith.constant dense<0xFF800000> : vector<256xf32>
    %reduce_max3A_159 = vector.multi_reduction <maximumf>, %select_n3A_157, %reduce_max3A_158 [1] : vector<256x256xf32> to vector<256xf32>
    %broadcast_in_dim3A_160 = vector.shape_cast %reduce_max3A_159 : vector<256xf32> to vector<256x1xf32>
    %eq3A_161 = vector.broadcast %broadcast_in_dim3A_160 : vector<256x1xf32> to vector<256x256xf32>
    %eq3A_162 = arith.cmpf oeq, %select_n3A_157, %eq3A_161 : vector<256x256xf32>
    %jit3A_163 = arith.constant 1073741824 : i32
    %broadcast_in_dim3A_164 = vector.broadcast %jit3A_163 : i32 to vector<256x256xi32>
    %select_n3A_165 = arith.select %eq3A_162, %iota3A, %broadcast_in_dim3A_164 : vector<256x256xi1>, vector<256x256xi32>
    %reduce_min3A_166 = arith.constant dense<2147483647> : vector<256xi32>
    %reduce_min3A_167 = vector.multi_reduction <minsi>, %select_n3A_165, %reduce_min3A_166 [1] : vector<256x256xi32> to vector<256xi32>
    %broadcast_in_dim3A_168 = vector.shape_cast %reduce_min3A_167 : vector<256xi32> to vector<256x1xi32>
    %eq3A_169 = vector.broadcast %broadcast_in_dim3A_168 : vector<256x1xi32> to vector<256x256xi32>
    %eq3A_170 = arith.cmpi eq, %iota3A, %eq3A_169 : vector<256x256xi32>
    %convert_element_type3A_171 = arith.extui %eq3A_170 : vector<256x256xi1> to vector<256x256xi32>
    %convert_element_type3A_172 = arith.sitofp %convert_element_type3A_171 : vector<256x256xi32> to vector<256x256xf32>
    %dot_general3A_173 = arith.constant dense<0.000000e+00> : vector<256x12xf32>
    %dot_general3A_174 = tpu.matmul %convert_element_type3A_172, %get3A_3, %dot_general3A_173 {dimension_numbers = #tpu.dot_dimension_numbers<[1], [0], [0], [1], [0, 0, 1, 1], [], []>, transpose_lhs_hint = false} : vector<256x256xf32>, vector<256x12xf32>, vector<256x12xf32> -> vector<256x12xf32>
    %concatenate3A = tpu.concatenate %dot_general3A_14, %dot_general3A_34, %dot_general3A_54, %dot_general3A_74, %dot_general3A_94, %dot_general3A_114, %dot_general3A_134, %dot_general3A_154, %dot_general3A_174 in 1 : vector<256x12xf32>, vector<256x12xf32>, vector<256x12xf32>, vector<256x12xf32>, vector<256x12xf32>, vector<256x12xf32>, vector<256x12xf32>, vector<256x12xf32>, vector<256x12xf32> -> vector<256x108xf32>
    %get3A_175 = arith.constant 0 : index
    %get3A_176 = arith.constant 0 : index
    %get3A_177 = vector.load %arg2[%get3A_175, %get3A_176] : memref<108x64xf32, #tpu.memory_space<vmem>>, vector<108x64xf32>
    %dot_general3A_178 = arith.constant dense<0.000000e+00> : vector<256x64xf32>
    %dot_general3A_179 = tpu.matmul %concatenate3A, %get3A_177, %dot_general3A_178 {dimension_numbers = #tpu.dot_dimension_numbers<[1], [0], [0], [1], [0, 0, 1, 1], [], []>, transpose_lhs_hint = false} : vector<256x108xf32>, vector<108x64xf32>, vector<256x64xf32> -> vector<256x64xf32>
    %get3A_180 = arith.constant 0 : index
    %get3A_181 = arith.constant 0 : index
    %get3A_182 = vector.load %arg3[%get3A_180, %get3A_181] : memref<1x64xf32, #tpu.memory_space<vmem>>, vector<1x64xf32>
    %add3A = vector.broadcast %get3A_182 : vector<1x64xf32> to vector<256x64xf32>
    %add3A_183 = arith.addf %dot_general3A_179, %add3A : vector<256x64xf32>
    %swap3A = arith.constant 0 : index
    %swap3A_184 = arith.constant 0 : index
    %swap3A_185 = arith.constant 0 : index
    %swap3A_186 = vector.load %arg4[%swap3A, %swap3A_184, %swap3A_185] : memref<1x256x64xf32, #tpu.memory_space<vmem>>, vector<1x256x64xf32>
    %swap3A_187 = vector.shape_cast %swap3A_186 : vector<1x256x64xf32> to vector<256x64xf32>
    %swap3A_188 = vector.shape_cast %add3A_183 : vector<256x64xf32> to vector<1x256x64xf32>
    tpu.vector_store %arg4[%swap3A, %swap3A_184, %swap3A_185], %swap3A_188 {strides = array<i32>} : memref<1x256x64xf32, #tpu.memory_space<vmem>>, vector<1x256x64xf32>,
    return
  }
  func.func @transform_0(%arg0: i32) -> (i32, i32, i32) {
    %c0_i32 = arith.constant 0 : i32
    %c0_i32_0 = arith.constant 0 : i32
    %c0_i32_1 = arith.constant 0 : i32
    return %arg0, %c0_i32, %c0_i32_0 : i32, i32, i32
  }
  func.func @transform_1(%arg0: i32) -> (i32, i32) {
    %c0_i32 = arith.constant 0 : i32
    %c0_i32_0 = arith.constant 0 : i32
    %c0_i32_1 = arith.constant 0 : i32
    return %c0_i32, %c0_i32_0 : i32, i32
  }
  func.func @transform_2(%arg0: i32) -> (i32, i32) {
    %c0_i32 = arith.constant 0 : i32
    %c0_i32_0 = arith.constant 0 : i32
    %c0_i32_1 = arith.constant 0 : i32
    return %c0_i32, %c0_i32_0 : i32, i32
  }
  func.func @transform_3(%arg0: i32) -> (i32, i32, i32) {
    %c0_i32 = arith.constant 0 : i32
    %c0_i32_0 = arith.constant 0 : i32
    %c0_i32_1 = arith.constant 0 : i32
    return %arg0, %c0_i32, %c0_i32_0 : i32, i32, i32
  }
}

module attributes {stable_mosaic.version = 14 : i64} {
  func.func @body(%arg0: i32, %arg1: memref<27x16xf32, #tpu.memory_space<vmem>>, %arg2: memref<27x8192xf32, #tpu.memory_space<vmem>>, %arg3: memref<16x1xf32, #tpu.memory_space<vmem>>, %arg4: memref<16x8192xf32, #tpu.memory_space<vmem>>) attributes {dimension_semantics = [#tpu.dimension_semantics<arbitrary>], iteration_bounds = array<i64: 32>, scalar_prefetch = 0 : i64, scratch_operands = 0 : i64, tpu.core_type = #tpu.core_type<tc>, window_params = [{pipeline_mode = #tpu.pipeline_mode<synchronous>, transform_indices = @transform_0, window_bounds = array<i64: 27, 16>}, {transform_indices = @transform_1, window_bounds = array<i64: 27, 8192>}, {pipeline_mode = #tpu.pipeline_mode<synchronous>, transform_indices = @transform_2, window_bounds = array<i64: 16, 1>}, {transform_indices = @transform_3, window_bounds = array<i64: 16, 8192>}]} {
    %get3A = arith.constant 0 : index
    %get3A_0 = arith.constant 0 : index
    %get3A_1 = vector.load %arg1[%get3A, %get3A_0] : memref<27x16xf32, #tpu.memory_space<vmem>>, vector<27x16xf32>
    %get3A_2 = arith.constant 0 : index
    %get3A_3 = arith.constant 0 : index
    %get3A_4 = vector.load %arg2[%get3A_2, %get3A_3] : memref<27x8192xf32, #tpu.memory_space<vmem>>, vector<27x8192xf32>
    %dot_general3A = arith.constant dense<0.000000e+00> : vector<16x8192xf32>
    %dot_general3A_5 = tpu.matmul %get3A_1, %get3A_4, %dot_general3A {dimension_numbers = #tpu.dot_dimension_numbers<[0], [0], [1], [1], [0, 1, 1, 1], [], []>, transpose_lhs_hint = false} : vector<27x16xf32>, vector<27x8192xf32>, vector<16x8192xf32> -> vector<16x8192xf32>
    %get3A_6 = arith.constant 0 : index
    %get3A_7 = arith.constant 0 : index
    %get3A_8 = vector.load %arg3[%get3A_6, %get3A_7] : memref<16x1xf32, #tpu.memory_space<vmem>>, vector<16x1xf32>
    %add3A = vector.broadcast %get3A_8 : vector<16x1xf32> to vector<16x8192xf32>
    %add3A_9 = arith.addf %dot_general3A_5, %add3A : vector<16x8192xf32>
    %swap3A = arith.constant 0 : index
    %swap3A_10 = arith.constant 0 : index
    %swap3A_11 = vector.load %arg4[%swap3A, %swap3A_10] : memref<16x8192xf32, #tpu.memory_space<vmem>>, vector<16x8192xf32>
    tpu.vector_store %arg4[%swap3A, %swap3A_10], %add3A_9 {strides = array<i32>} : memref<16x8192xf32, #tpu.memory_space<vmem>>, vector<16x8192xf32>,
    return
  }
  func.func @transform_0(%arg0: i32) -> (i32, i32) {
    %c0_i32 = arith.constant 0 : i32
    %c0_i32_0 = arith.constant 0 : i32
    %c0_i32_1 = arith.constant 0 : i32
    return %c0_i32, %c0_i32_0 : i32, i32
  }
  func.func @transform_1(%arg0: i32) -> (i32, i32) {
    %c0_i32 = arith.constant 0 : i32
    %c0_i32_0 = arith.constant 0 : i32
    return %c0_i32, %arg0 : i32, i32
  }
  func.func @transform_2(%arg0: i32) -> (i32, i32) {
    %c0_i32 = arith.constant 0 : i32
    %c0_i32_0 = arith.constant 0 : i32
    %c0_i32_1 = arith.constant 0 : i32
    return %c0_i32, %c0_i32_0 : i32, i32
  }
  func.func @transform_3(%arg0: i32) -> (i32, i32) {
    %c0_i32 = arith.constant 0 : i32
    %c0_i32_0 = arith.constant 0 : i32
    return %c0_i32, %arg0 : i32, i32
  }
}

module attributes {stable_mosaic.version = 14 : i64} {
  func.func @body(%arg0: i32, %arg1: memref<32x16xf32, #tpu.memory_space<vmem>>, %arg2: memref<32x8192xf32, #tpu.memory_space<vmem>>, %arg3: memref<16x1xf32, #tpu.memory_space<vmem>>, %arg4: memref<16x8192xf32, #tpu.memory_space<vmem>>) attributes {dimension_semantics = [#tpu.dimension_semantics<arbitrary>], iteration_bounds = array<i64: 32>, scalar_prefetch = 0 : i64, scratch_operands = 0 : i64, tpu.core_type = #tpu.core_type<tc>, window_params = [{pipeline_mode = #tpu.pipeline_mode<synchronous>, transform_indices = @transform_0, window_bounds = array<i64: 32, 16>}, {transform_indices = @transform_1, window_bounds = array<i64: 32, 8192>}, {pipeline_mode = #tpu.pipeline_mode<synchronous>, transform_indices = @transform_2, window_bounds = array<i64: 16, 1>}, {transform_indices = @transform_3, window_bounds = array<i64: 16, 8192>}]} {
    %get3A = arith.constant 0 : index
    %get3A_0 = arith.constant 0 : index
    %get3A_1 = vector.load %arg1[%get3A, %get3A_0] : memref<32x16xf32, #tpu.memory_space<vmem>>, vector<32x16xf32>
    %get3A_2 = arith.constant 0 : index
    %get3A_3 = arith.constant 0 : index
    %get3A_4 = vector.load %arg2[%get3A_2, %get3A_3] : memref<32x8192xf32, #tpu.memory_space<vmem>>, vector<32x8192xf32>
    %dot_general3A = arith.constant dense<0.000000e+00> : vector<16x8192xf32>
    %dot_general3A_5 = tpu.matmul %get3A_1, %get3A_4, %dot_general3A {dimension_numbers = #tpu.dot_dimension_numbers<[0], [0], [1], [1], [0, 1, 1, 1], [], []>, transpose_lhs_hint = false} : vector<32x16xf32>, vector<32x8192xf32>, vector<16x8192xf32> -> vector<16x8192xf32>
    %get3A_6 = arith.constant 0 : index
    %get3A_7 = arith.constant 0 : index
    %get3A_8 = vector.load %arg3[%get3A_6, %get3A_7] : memref<16x1xf32, #tpu.memory_space<vmem>>, vector<16x1xf32>
    %add3A = vector.broadcast %get3A_8 : vector<16x1xf32> to vector<16x8192xf32>
    %add3A_9 = arith.addf %dot_general3A_5, %add3A : vector<16x8192xf32>
    %swap3A = arith.constant 0 : index
    %swap3A_10 = arith.constant 0 : index
    %swap3A_11 = vector.load %arg4[%swap3A, %swap3A_10] : memref<16x8192xf32, #tpu.memory_space<vmem>>, vector<16x8192xf32>
    tpu.vector_store %arg4[%swap3A, %swap3A_10], %add3A_9 {strides = array<i32>} : memref<16x8192xf32, #tpu.memory_space<vmem>>, vector<16x8192xf32>,
    return
  }
  func.func @transform_0(%arg0: i32) -> (i32, i32) {
    %c0_i32 = arith.constant 0 : i32
    %c0_i32_0 = arith.constant 0 : i32
    %c0_i32_1 = arith.constant 0 : i32
    return %c0_i32, %c0_i32_0 : i32, i32
  }
  func.func @transform_1(%arg0: i32) -> (i32, i32) {
    %c0_i32 = arith.constant 0 : i32
    %c0_i32_0 = arith.constant 0 : i32
    return %c0_i32, %arg0 : i32, i32
  }
  func.func @transform_2(%arg0: i32) -> (i32, i32) {
    %c0_i32 = arith.constant 0 : i32
    %c0_i32_0 = arith.constant 0 : i32
    %c0_i32_1 = arith.constant 0 : i32
    return %c0_i32, %c0_i32_0 : i32, i32
  }
  func.func @transform_3(%arg0: i32) -> (i32, i32) {
    %c0_i32 = arith.constant 0 : i32
    %c0_i32_0 = arith.constant 0 : i32
    return %c0_i32, %arg0 : i32, i32
  }
}

module attributes {stable_mosaic.version = 14 : i64} {
  func.func @body(%arg0: i32, %arg1: memref<1x256x64xf32, #tpu.memory_space<vmem>>, %arg2: memref<576x128xf32, #tpu.memory_space<vmem>>, %arg3: memref<1x128xf32, #tpu.memory_space<vmem>>, %arg4: memref<1x256x128xf32, #tpu.memory_space<vmem>>) attributes {dimension_semantics = [#tpu.dimension_semantics<arbitrary>], iteration_bounds = array<i64: 256>, scalar_prefetch = 0 : i64, scratch_operands = 0 : i64, tpu.core_type = #tpu.core_type<tc>, window_params = [{transform_indices = @transform_0, window_bounds = array<i64: 1, 256, 64>}, {pipeline_mode = #tpu.pipeline_mode<synchronous>, transform_indices = @transform_1, window_bounds = array<i64: 576, 128>}, {pipeline_mode = #tpu.pipeline_mode<synchronous>, transform_indices = @transform_2, window_bounds = array<i64: 1, 128>}, {transform_indices = @transform_3, window_bounds = array<i64: 1, 256, 128>}]} {
    %get3A = arith.constant 0 : index
    %get3A_0 = arith.constant 0 : index
    %get3A_1 = arith.constant 0 : index
    %get3A_2 = vector.load %arg1[%get3A, %get3A_0, %get3A_1] : memref<1x256x64xf32, #tpu.memory_space<vmem>>, vector<1x256x64xf32>
    %get3A_3 = vector.shape_cast %get3A_2 : vector<1x256x64xf32> to vector<256x64xf32>
    %dot_general3A = arith.constant dense<0.000000e+00> : vector<256x256xf32>
    %dot_general3A_4 = tpu.matmul %get3A_3, %get3A_3, %dot_general3A {dimension_numbers = #tpu.dot_dimension_numbers<[1], [1], [0], [0], [0, 0, 1, 0], [], []>, transpose_lhs_hint = false} : vector<256x64xf32>, vector<256x64xf32>, vector<256x256xf32> -> vector<256x256xf32>
    %iota3A = tpu.iota {dimensions = array<i32: 1>} : vector<256x256xi32>
    %reduce_max3A = arith.constant dense<0xFF800000> : vector<256xf32>
    %reduce_max3A_5 = vector.multi_reduction <maximumf>, %dot_general3A_4, %reduce_max3A [1] : vector<256x256xf32> to vector<256xf32>
    %broadcast_in_dim3A = vector.shape_cast %reduce_max3A_5 : vector<256xf32> to vector<256x1xf32>
    %eq3A = vector.broadcast %broadcast_in_dim3A : vector<256x1xf32> to vector<256x256xf32>
    %eq3A_6 = arith.cmpf oeq, %dot_general3A_4, %eq3A : vector<256x256xf32>
    %jit3A = arith.constant 1073741824 : i32
    %broadcast_in_dim3A_7 = vector.broadcast %jit3A : i32 to vector<256x256xi32>
    %select_n3A = arith.select %eq3A_6, %iota3A, %broadcast_in_dim3A_7 : vector<256x256xi1>, vector<256x256xi32>
    %reduce_min3A = arith.constant dense<2147483647> : vector<256xi32>
    %reduce_min3A_8 = vector.multi_reduction <minsi>, %select_n3A, %reduce_min3A [1] : vector<256x256xi32> to vector<256xi32>
    %broadcast_in_dim3A_9 = vector.shape_cast %reduce_min3A_8 : vector<256xi32> to vector<256x1xi32>
    %eq3A_10 = vector.broadcast %broadcast_in_dim3A_9 : vector<256x1xi32> to vector<256x256xi32>
    %eq3A_11 = arith.cmpi eq, %iota3A, %eq3A_10 : vector<256x256xi32>
    %convert_element_type3A = arith.extui %eq3A_11 : vector<256x256xi1> to vector<256x256xi32>
    %convert_element_type3A_12 = arith.sitofp %convert_element_type3A : vector<256x256xi32> to vector<256x256xf32>
    %dot_general3A_13 = arith.constant dense<0.000000e+00> : vector<256x64xf32>
    %dot_general3A_14 = tpu.matmul %convert_element_type3A_12, %get3A_3, %dot_general3A_13 {dimension_numbers = #tpu.dot_dimension_numbers<[1], [0], [0], [1], [0, 0, 1, 1], [], []>, transpose_lhs_hint = false} : vector<256x256xf32>, vector<256x64xf32>, vector<256x64xf32> -> vector<256x64xf32>
    %jit3A_15 = arith.constant 0xFF800000 : f32
    %broadcast_in_dim3A_16 = vector.broadcast %jit3A_15 : f32 to vector<256x256xf32>
    %select_n3A_17 = arith.select %eq3A_11, %broadcast_in_dim3A_16, %dot_general3A_4 : vector<256x256xi1>, vector<256x256xf32>
    %reduce_max3A_18 = arith.constant dense<0xFF800000> : vector<256xf32>
    %reduce_max3A_19 = vector.multi_reduction <maximumf>, %select_n3A_17, %reduce_max3A_18 [1] : vector<256x256xf32> to vector<256xf32>
    %broadcast_in_dim3A_20 = vector.shape_cast %reduce_max3A_19 : vector<256xf32> to vector<256x1xf32>
    %eq3A_21 = vector.broadcast %broadcast_in_dim3A_20 : vector<256x1xf32> to vector<256x256xf32>
    %eq3A_22 = arith.cmpf oeq, %select_n3A_17, %eq3A_21 : vector<256x256xf32>
    %jit3A_23 = arith.constant 1073741824 : i32
    %broadcast_in_dim3A_24 = vector.broadcast %jit3A_23 : i32 to vector<256x256xi32>
    %select_n3A_25 = arith.select %eq3A_22, %iota3A, %broadcast_in_dim3A_24 : vector<256x256xi1>, vector<256x256xi32>
    %reduce_min3A_26 = arith.constant dense<2147483647> : vector<256xi32>
    %reduce_min3A_27 = vector.multi_reduction <minsi>, %select_n3A_25, %reduce_min3A_26 [1] : vector<256x256xi32> to vector<256xi32>
    %broadcast_in_dim3A_28 = vector.shape_cast %reduce_min3A_27 : vector<256xi32> to vector<256x1xi32>
    %eq3A_29 = vector.broadcast %broadcast_in_dim3A_28 : vector<256x1xi32> to vector<256x256xi32>
    %eq3A_30 = arith.cmpi eq, %iota3A, %eq3A_29 : vector<256x256xi32>
    %convert_element_type3A_31 = arith.extui %eq3A_30 : vector<256x256xi1> to vector<256x256xi32>
    %convert_element_type3A_32 = arith.sitofp %convert_element_type3A_31 : vector<256x256xi32> to vector<256x256xf32>
    %dot_general3A_33 = arith.constant dense<0.000000e+00> : vector<256x64xf32>
    %dot_general3A_34 = tpu.matmul %convert_element_type3A_32, %get3A_3, %dot_general3A_33 {dimension_numbers = #tpu.dot_dimension_numbers<[1], [0], [0], [1], [0, 0, 1, 1], [], []>, transpose_lhs_hint = false} : vector<256x256xf32>, vector<256x64xf32>, vector<256x64xf32> -> vector<256x64xf32>
    %jit3A_35 = arith.constant 0xFF800000 : f32
    %broadcast_in_dim3A_36 = vector.broadcast %jit3A_35 : f32 to vector<256x256xf32>
    %select_n3A_37 = arith.select %eq3A_30, %broadcast_in_dim3A_36, %select_n3A_17 : vector<256x256xi1>, vector<256x256xf32>
    %reduce_max3A_38 = arith.constant dense<0xFF800000> : vector<256xf32>
    %reduce_max3A_39 = vector.multi_reduction <maximumf>, %select_n3A_37, %reduce_max3A_38 [1] : vector<256x256xf32> to vector<256xf32>
    %broadcast_in_dim3A_40 = vector.shape_cast %reduce_max3A_39 : vector<256xf32> to vector<256x1xf32>
    %eq3A_41 = vector.broadcast %broadcast_in_dim3A_40 : vector<256x1xf32> to vector<256x256xf32>
    %eq3A_42 = arith.cmpf oeq, %select_n3A_37, %eq3A_41 : vector<256x256xf32>
    %jit3A_43 = arith.constant 1073741824 : i32
    %broadcast_in_dim3A_44 = vector.broadcast %jit3A_43 : i32 to vector<256x256xi32>
    %select_n3A_45 = arith.select %eq3A_42, %iota3A, %broadcast_in_dim3A_44 : vector<256x256xi1>, vector<256x256xi32>
    %reduce_min3A_46 = arith.constant dense<2147483647> : vector<256xi32>
    %reduce_min3A_47 = vector.multi_reduction <minsi>, %select_n3A_45, %reduce_min3A_46 [1] : vector<256x256xi32> to vector<256xi32>
    %broadcast_in_dim3A_48 = vector.shape_cast %reduce_min3A_47 : vector<256xi32> to vector<256x1xi32>
    %eq3A_49 = vector.broadcast %broadcast_in_dim3A_48 : vector<256x1xi32> to vector<256x256xi32>
    %eq3A_50 = arith.cmpi eq, %iota3A, %eq3A_49 : vector<256x256xi32>
    %convert_element_type3A_51 = arith.extui %eq3A_50 : vector<256x256xi1> to vector<256x256xi32>
    %convert_element_type3A_52 = arith.sitofp %convert_element_type3A_51 : vector<256x256xi32> to vector<256x256xf32>
    %dot_general3A_53 = arith.constant dense<0.000000e+00> : vector<256x64xf32>
    %dot_general3A_54 = tpu.matmul %convert_element_type3A_52, %get3A_3, %dot_general3A_53 {dimension_numbers = #tpu.dot_dimension_numbers<[1], [0], [0], [1], [0, 0, 1, 1], [], []>, transpose_lhs_hint = false} : vector<256x256xf32>, vector<256x64xf32>, vector<256x64xf32> -> vector<256x64xf32>
    %jit3A_55 = arith.constant 0xFF800000 : f32
    %broadcast_in_dim3A_56 = vector.broadcast %jit3A_55 : f32 to vector<256x256xf32>
    %select_n3A_57 = arith.select %eq3A_50, %broadcast_in_dim3A_56, %select_n3A_37 : vector<256x256xi1>, vector<256x256xf32>
    %reduce_max3A_58 = arith.constant dense<0xFF800000> : vector<256xf32>
    %reduce_max3A_59 = vector.multi_reduction <maximumf>, %select_n3A_57, %reduce_max3A_58 [1] : vector<256x256xf32> to vector<256xf32>
    %broadcast_in_dim3A_60 = vector.shape_cast %reduce_max3A_59 : vector<256xf32> to vector<256x1xf32>
    %eq3A_61 = vector.broadcast %broadcast_in_dim3A_60 : vector<256x1xf32> to vector<256x256xf32>
    %eq3A_62 = arith.cmpf oeq, %select_n3A_57, %eq3A_61 : vector<256x256xf32>
    %jit3A_63 = arith.constant 1073741824 : i32
    %broadcast_in_dim3A_64 = vector.broadcast %jit3A_63 : i32 to vector<256x256xi32>
    %select_n3A_65 = arith.select %eq3A_62, %iota3A, %broadcast_in_dim3A_64 : vector<256x256xi1>, vector<256x256xi32>
    %reduce_min3A_66 = arith.constant dense<2147483647> : vector<256xi32>
    %reduce_min3A_67 = vector.multi_reduction <minsi>, %select_n3A_65, %reduce_min3A_66 [1] : vector<256x256xi32> to vector<256xi32>
    %broadcast_in_dim3A_68 = vector.shape_cast %reduce_min3A_67 : vector<256xi32> to vector<256x1xi32>
    %eq3A_69 = vector.broadcast %broadcast_in_dim3A_68 : vector<256x1xi32> to vector<256x256xi32>
    %eq3A_70 = arith.cmpi eq, %iota3A, %eq3A_69 : vector<256x256xi32>
    %convert_element_type3A_71 = arith.extui %eq3A_70 : vector<256x256xi1> to vector<256x256xi32>
    %convert_element_type3A_72 = arith.sitofp %convert_element_type3A_71 : vector<256x256xi32> to vector<256x256xf32>
    %dot_general3A_73 = arith.constant dense<0.000000e+00> : vector<256x64xf32>
    %dot_general3A_74 = tpu.matmul %convert_element_type3A_72, %get3A_3, %dot_general3A_73 {dimension_numbers = #tpu.dot_dimension_numbers<[1], [0], [0], [1], [0, 0, 1, 1], [], []>, transpose_lhs_hint = false} : vector<256x256xf32>, vector<256x64xf32>, vector<256x64xf32> -> vector<256x64xf32>
    %jit3A_75 = arith.constant 0xFF800000 : f32
    %broadcast_in_dim3A_76 = vector.broadcast %jit3A_75 : f32 to vector<256x256xf32>
    %select_n3A_77 = arith.select %eq3A_70, %broadcast_in_dim3A_76, %select_n3A_57 : vector<256x256xi1>, vector<256x256xf32>
    %reduce_max3A_78 = arith.constant dense<0xFF800000> : vector<256xf32>
    %reduce_max3A_79 = vector.multi_reduction <maximumf>, %select_n3A_77, %reduce_max3A_78 [1] : vector<256x256xf32> to vector<256xf32>
    %broadcast_in_dim3A_80 = vector.shape_cast %reduce_max3A_79 : vector<256xf32> to vector<256x1xf32>
    %eq3A_81 = vector.broadcast %broadcast_in_dim3A_80 : vector<256x1xf32> to vector<256x256xf32>
    %eq3A_82 = arith.cmpf oeq, %select_n3A_77, %eq3A_81 : vector<256x256xf32>
    %jit3A_83 = arith.constant 1073741824 : i32
    %broadcast_in_dim3A_84 = vector.broadcast %jit3A_83 : i32 to vector<256x256xi32>
    %select_n3A_85 = arith.select %eq3A_82, %iota3A, %broadcast_in_dim3A_84 : vector<256x256xi1>, vector<256x256xi32>
    %reduce_min3A_86 = arith.constant dense<2147483647> : vector<256xi32>
    %reduce_min3A_87 = vector.multi_reduction <minsi>, %select_n3A_85, %reduce_min3A_86 [1] : vector<256x256xi32> to vector<256xi32>
    %broadcast_in_dim3A_88 = vector.shape_cast %reduce_min3A_87 : vector<256xi32> to vector<256x1xi32>
    %eq3A_89 = vector.broadcast %broadcast_in_dim3A_88 : vector<256x1xi32> to vector<256x256xi32>
    %eq3A_90 = arith.cmpi eq, %iota3A, %eq3A_89 : vector<256x256xi32>
    %convert_element_type3A_91 = arith.extui %eq3A_90 : vector<256x256xi1> to vector<256x256xi32>
    %convert_element_type3A_92 = arith.sitofp %convert_element_type3A_91 : vector<256x256xi32> to vector<256x256xf32>
    %dot_general3A_93 = arith.constant dense<0.000000e+00> : vector<256x64xf32>
    %dot_general3A_94 = tpu.matmul %convert_element_type3A_92, %get3A_3, %dot_general3A_93 {dimension_numbers = #tpu.dot_dimension_numbers<[1], [0], [0], [1], [0, 0, 1, 1], [], []>, transpose_lhs_hint = false} : vector<256x256xf32>, vector<256x64xf32>, vector<256x64xf32> -> vector<256x64xf32>
    %jit3A_95 = arith.constant 0xFF800000 : f32
    %broadcast_in_dim3A_96 = vector.broadcast %jit3A_95 : f32 to vector<256x256xf32>
    %select_n3A_97 = arith.select %eq3A_90, %broadcast_in_dim3A_96, %select_n3A_77 : vector<256x256xi1>, vector<256x256xf32>
    %reduce_max3A_98 = arith.constant dense<0xFF800000> : vector<256xf32>
    %reduce_max3A_99 = vector.multi_reduction <maximumf>, %select_n3A_97, %reduce_max3A_98 [1] : vector<256x256xf32> to vector<256xf32>
    %broadcast_in_dim3A_100 = vector.shape_cast %reduce_max3A_99 : vector<256xf32> to vector<256x1xf32>
    %eq3A_101 = vector.broadcast %broadcast_in_dim3A_100 : vector<256x1xf32> to vector<256x256xf32>
    %eq3A_102 = arith.cmpf oeq, %select_n3A_97, %eq3A_101 : vector<256x256xf32>
    %jit3A_103 = arith.constant 1073741824 : i32
    %broadcast_in_dim3A_104 = vector.broadcast %jit3A_103 : i32 to vector<256x256xi32>
    %select_n3A_105 = arith.select %eq3A_102, %iota3A, %broadcast_in_dim3A_104 : vector<256x256xi1>, vector<256x256xi32>
    %reduce_min3A_106 = arith.constant dense<2147483647> : vector<256xi32>
    %reduce_min3A_107 = vector.multi_reduction <minsi>, %select_n3A_105, %reduce_min3A_106 [1] : vector<256x256xi32> to vector<256xi32>
    %broadcast_in_dim3A_108 = vector.shape_cast %reduce_min3A_107 : vector<256xi32> to vector<256x1xi32>
    %eq3A_109 = vector.broadcast %broadcast_in_dim3A_108 : vector<256x1xi32> to vector<256x256xi32>
    %eq3A_110 = arith.cmpi eq, %iota3A, %eq3A_109 : vector<256x256xi32>
    %convert_element_type3A_111 = arith.extui %eq3A_110 : vector<256x256xi1> to vector<256x256xi32>
    %convert_element_type3A_112 = arith.sitofp %convert_element_type3A_111 : vector<256x256xi32> to vector<256x256xf32>
    %dot_general3A_113 = arith.constant dense<0.000000e+00> : vector<256x64xf32>
    %dot_general3A_114 = tpu.matmul %convert_element_type3A_112, %get3A_3, %dot_general3A_113 {dimension_numbers = #tpu.dot_dimension_numbers<[1], [0], [0], [1], [0, 0, 1, 1], [], []>, transpose_lhs_hint = false} : vector<256x256xf32>, vector<256x64xf32>, vector<256x64xf32> -> vector<256x64xf32>
    %jit3A_115 = arith.constant 0xFF800000 : f32
    %broadcast_in_dim3A_116 = vector.broadcast %jit3A_115 : f32 to vector<256x256xf32>
    %select_n3A_117 = arith.select %eq3A_110, %broadcast_in_dim3A_116, %select_n3A_97 : vector<256x256xi1>, vector<256x256xf32>
    %reduce_max3A_118 = arith.constant dense<0xFF800000> : vector<256xf32>
    %reduce_max3A_119 = vector.multi_reduction <maximumf>, %select_n3A_117, %reduce_max3A_118 [1] : vector<256x256xf32> to vector<256xf32>
    %broadcast_in_dim3A_120 = vector.shape_cast %reduce_max3A_119 : vector<256xf32> to vector<256x1xf32>
    %eq3A_121 = vector.broadcast %broadcast_in_dim3A_120 : vector<256x1xf32> to vector<256x256xf32>
    %eq3A_122 = arith.cmpf oeq, %select_n3A_117, %eq3A_121 : vector<256x256xf32>
    %jit3A_123 = arith.constant 1073741824 : i32
    %broadcast_in_dim3A_124 = vector.broadcast %jit3A_123 : i32 to vector<256x256xi32>
    %select_n3A_125 = arith.select %eq3A_122, %iota3A, %broadcast_in_dim3A_124 : vector<256x256xi1>, vector<256x256xi32>
    %reduce_min3A_126 = arith.constant dense<2147483647> : vector<256xi32>
    %reduce_min3A_127 = vector.multi_reduction <minsi>, %select_n3A_125, %reduce_min3A_126 [1] : vector<256x256xi32> to vector<256xi32>
    %broadcast_in_dim3A_128 = vector.shape_cast %reduce_min3A_127 : vector<256xi32> to vector<256x1xi32>
    %eq3A_129 = vector.broadcast %broadcast_in_dim3A_128 : vector<256x1xi32> to vector<256x256xi32>
    %eq3A_130 = arith.cmpi eq, %iota3A, %eq3A_129 : vector<256x256xi32>
    %convert_element_type3A_131 = arith.extui %eq3A_130 : vector<256x256xi1> to vector<256x256xi32>
    %convert_element_type3A_132 = arith.sitofp %convert_element_type3A_131 : vector<256x256xi32> to vector<256x256xf32>
    %dot_general3A_133 = arith.constant dense<0.000000e+00> : vector<256x64xf32>
    %dot_general3A_134 = tpu.matmul %convert_element_type3A_132, %get3A_3, %dot_general3A_133 {dimension_numbers = #tpu.dot_dimension_numbers<[1], [0], [0], [1], [0, 0, 1, 1], [], []>, transpose_lhs_hint = false} : vector<256x256xf32>, vector<256x64xf32>, vector<256x64xf32> -> vector<256x64xf32>
    %jit3A_135 = arith.constant 0xFF800000 : f32
    %broadcast_in_dim3A_136 = vector.broadcast %jit3A_135 : f32 to vector<256x256xf32>
    %select_n3A_137 = arith.select %eq3A_130, %broadcast_in_dim3A_136, %select_n3A_117 : vector<256x256xi1>, vector<256x256xf32>
    %reduce_max3A_138 = arith.constant dense<0xFF800000> : vector<256xf32>
    %reduce_max3A_139 = vector.multi_reduction <maximumf>, %select_n3A_137, %reduce_max3A_138 [1] : vector<256x256xf32> to vector<256xf32>
    %broadcast_in_dim3A_140 = vector.shape_cast %reduce_max3A_139 : vector<256xf32> to vector<256x1xf32>
    %eq3A_141 = vector.broadcast %broadcast_in_dim3A_140 : vector<256x1xf32> to vector<256x256xf32>
    %eq3A_142 = arith.cmpf oeq, %select_n3A_137, %eq3A_141 : vector<256x256xf32>
    %jit3A_143 = arith.constant 1073741824 : i32
    %broadcast_in_dim3A_144 = vector.broadcast %jit3A_143 : i32 to vector<256x256xi32>
    %select_n3A_145 = arith.select %eq3A_142, %iota3A, %broadcast_in_dim3A_144 : vector<256x256xi1>, vector<256x256xi32>
    %reduce_min3A_146 = arith.constant dense<2147483647> : vector<256xi32>
    %reduce_min3A_147 = vector.multi_reduction <minsi>, %select_n3A_145, %reduce_min3A_146 [1] : vector<256x256xi32> to vector<256xi32>
    %broadcast_in_dim3A_148 = vector.shape_cast %reduce_min3A_147 : vector<256xi32> to vector<256x1xi32>
    %eq3A_149 = vector.broadcast %broadcast_in_dim3A_148 : vector<256x1xi32> to vector<256x256xi32>
    %eq3A_150 = arith.cmpi eq, %iota3A, %eq3A_149 : vector<256x256xi32>
    %convert_element_type3A_151 = arith.extui %eq3A_150 : vector<256x256xi1> to vector<256x256xi32>
    %convert_element_type3A_152 = arith.sitofp %convert_element_type3A_151 : vector<256x256xi32> to vector<256x256xf32>
    %dot_general3A_153 = arith.constant dense<0.000000e+00> : vector<256x64xf32>
    %dot_general3A_154 = tpu.matmul %convert_element_type3A_152, %get3A_3, %dot_general3A_153 {dimension_numbers = #tpu.dot_dimension_numbers<[1], [0], [0], [1], [0, 0, 1, 1], [], []>, transpose_lhs_hint = false} : vector<256x256xf32>, vector<256x64xf32>, vector<256x64xf32> -> vector<256x64xf32>
    %jit3A_155 = arith.constant 0xFF800000 : f32
    %broadcast_in_dim3A_156 = vector.broadcast %jit3A_155 : f32 to vector<256x256xf32>
    %select_n3A_157 = arith.select %eq3A_150, %broadcast_in_dim3A_156, %select_n3A_137 : vector<256x256xi1>, vector<256x256xf32>
    %reduce_max3A_158 = arith.constant dense<0xFF800000> : vector<256xf32>
    %reduce_max3A_159 = vector.multi_reduction <maximumf>, %select_n3A_157, %reduce_max3A_158 [1] : vector<256x256xf32> to vector<256xf32>
    %broadcast_in_dim3A_160 = vector.shape_cast %reduce_max3A_159 : vector<256xf32> to vector<256x1xf32>
    %eq3A_161 = vector.broadcast %broadcast_in_dim3A_160 : vector<256x1xf32> to vector<256x256xf32>
    %eq3A_162 = arith.cmpf oeq, %select_n3A_157, %eq3A_161 : vector<256x256xf32>
    %jit3A_163 = arith.constant 1073741824 : i32
    %broadcast_in_dim3A_164 = vector.broadcast %jit3A_163 : i32 to vector<256x256xi32>
    %select_n3A_165 = arith.select %eq3A_162, %iota3A, %broadcast_in_dim3A_164 : vector<256x256xi1>, vector<256x256xi32>
    %reduce_min3A_166 = arith.constant dense<2147483647> : vector<256xi32>
    %reduce_min3A_167 = vector.multi_reduction <minsi>, %select_n3A_165, %reduce_min3A_166 [1] : vector<256x256xi32> to vector<256xi32>
    %broadcast_in_dim3A_168 = vector.shape_cast %reduce_min3A_167 : vector<256xi32> to vector<256x1xi32>
    %eq3A_169 = vector.broadcast %broadcast_in_dim3A_168 : vector<256x1xi32> to vector<256x256xi32>
    %eq3A_170 = arith.cmpi eq, %iota3A, %eq3A_169 : vector<256x256xi32>
    %convert_element_type3A_171 = arith.extui %eq3A_170 : vector<256x256xi1> to vector<256x256xi32>
    %convert_element_type3A_172 = arith.sitofp %convert_element_type3A_171 : vector<256x256xi32> to vector<256x256xf32>
    %dot_general3A_173 = arith.constant dense<0.000000e+00> : vector<256x64xf32>
    %dot_general3A_174 = tpu.matmul %convert_element_type3A_172, %get3A_3, %dot_general3A_173 {dimension_numbers = #tpu.dot_dimension_numbers<[1], [0], [0], [1], [0, 0, 1, 1], [], []>, transpose_lhs_hint = false} : vector<256x256xf32>, vector<256x64xf32>, vector<256x64xf32> -> vector<256x64xf32>
    %concatenate3A = tpu.concatenate %dot_general3A_14, %dot_general3A_34, %dot_general3A_54, %dot_general3A_74, %dot_general3A_94, %dot_general3A_114, %dot_general3A_134, %dot_general3A_154, %dot_general3A_174 in 1 : vector<256x64xf32>, vector<256x64xf32>, vector<256x64xf32>, vector<256x64xf32>, vector<256x64xf32>, vector<256x64xf32>, vector<256x64xf32>, vector<256x64xf32>, vector<256x64xf32> -> vector<256x576xf32>
    %get3A_175 = arith.constant 0 : index
    %get3A_176 = arith.constant 0 : index
    %get3A_177 = vector.load %arg2[%get3A_175, %get3A_176] : memref<576x128xf32, #tpu.memory_space<vmem>>, vector<576x128xf32>
    %dot_general3A_178 = arith.constant dense<0.000000e+00> : vector<256x128xf32>
    %dot_general3A_179 = tpu.matmul %concatenate3A, %get3A_177, %dot_general3A_178 {dimension_numbers = #tpu.dot_dimension_numbers<[1], [0], [0], [1], [0, 0, 1, 1], [], []>, transpose_lhs_hint = false} : vector<256x576xf32>, vector<576x128xf32>, vector<256x128xf32> -> vector<256x128xf32>
    %get3A_180 = arith.constant 0 : index
    %get3A_181 = arith.constant 0 : index
    %get3A_182 = vector.load %arg3[%get3A_180, %get3A_181] : memref<1x128xf32, #tpu.memory_space<vmem>>, vector<1x128xf32>
    %add3A = vector.broadcast %get3A_182 : vector<1x128xf32> to vector<256x128xf32>
    %add3A_183 = arith.addf %dot_general3A_179, %add3A : vector<256x128xf32>
    %swap3A = arith.constant 0 : index
    %swap3A_184 = arith.constant 0 : index
    %swap3A_185 = arith.constant 0 : index
    %swap3A_186 = vector.load %arg4[%swap3A, %swap3A_184, %swap3A_185] : memref<1x256x128xf32, #tpu.memory_space<vmem>>, vector<1x256x128xf32>
    %swap3A_187 = vector.shape_cast %swap3A_186 : vector<1x256x128xf32> to vector<256x128xf32>
    %swap3A_188 = vector.shape_cast %add3A_183 : vector<256x128xf32> to vector<1x256x128xf32>
    tpu.vector_store %arg4[%swap3A, %swap3A_184, %swap3A_185], %swap3A_188 {strides = array<i32>} : memref<1x256x128xf32, #tpu.memory_space<vmem>>, vector<1x256x128xf32>,
    return
  }
  func.func @transform_0(%arg0: i32) -> (i32, i32, i32) {
    %c0_i32 = arith.constant 0 : i32
    %c0_i32_0 = arith.constant 0 : i32
    %c0_i32_1 = arith.constant 0 : i32
    return %arg0, %c0_i32, %c0_i32_0 : i32, i32, i32
  }
  func.func @transform_1(%arg0: i32) -> (i32, i32) {
    %c0_i32 = arith.constant 0 : i32
    %c0_i32_0 = arith.constant 0 : i32
    %c0_i32_1 = arith.constant 0 : i32
    return %c0_i32, %c0_i32_0 : i32, i32
  }
  func.func @transform_2(%arg0: i32) -> (i32, i32) {
    %c0_i32 = arith.constant 0 : i32
    %c0_i32_0 = arith.constant 0 : i32
    %c0_i32_1 = arith.constant 0 : i32
    return %c0_i32, %c0_i32_0 : i32, i32
  }
  func.func @transform_3(%arg0: i32) -> (i32, i32, i32) {
    %c0_i32 = arith.constant 0 : i32
    %c0_i32_0 = arith.constant 0 : i32
    %c0_i32_1 = arith.constant 0 : i32
    return %arg0, %c0_i32, %c0_i32_0 : i32, i32, i32
  }
}

module attributes {stable_mosaic.version = 14 : i64} {
  func.func @body(%arg0: i32, %arg1: memref<144x32xf32, #tpu.memory_space<vmem>>, %arg2: memref<144x8192xf32, #tpu.memory_space<vmem>>, %arg3: memref<32x1xf32, #tpu.memory_space<vmem>>, %arg4: memref<32x8192xf32, #tpu.memory_space<vmem>>) attributes {dimension_semantics = [#tpu.dimension_semantics<arbitrary>], iteration_bounds = array<i64: 32>, scalar_prefetch = 0 : i64, scratch_operands = 0 : i64, tpu.core_type = #tpu.core_type<tc>, window_params = [{pipeline_mode = #tpu.pipeline_mode<synchronous>, transform_indices = @transform_0, window_bounds = array<i64: 144, 32>}, {transform_indices = @transform_1, window_bounds = array<i64: 144, 8192>}, {pipeline_mode = #tpu.pipeline_mode<synchronous>, transform_indices = @transform_2, window_bounds = array<i64: 32, 1>}, {transform_indices = @transform_3, window_bounds = array<i64: 32, 8192>}]} {
    %get3A = arith.constant 0 : index
    %get3A_0 = arith.constant 0 : index
    %get3A_1 = vector.load %arg1[%get3A, %get3A_0] : memref<144x32xf32, #tpu.memory_space<vmem>>, vector<144x32xf32>
    %get3A_2 = arith.constant 0 : index
    %get3A_3 = arith.constant 0 : index
    %get3A_4 = vector.load %arg2[%get3A_2, %get3A_3] : memref<144x8192xf32, #tpu.memory_space<vmem>>, vector<144x8192xf32>
    %dot_general3A = arith.constant dense<0.000000e+00> : vector<32x8192xf32>
    %dot_general3A_5 = tpu.matmul %get3A_1, %get3A_4, %dot_general3A {dimension_numbers = #tpu.dot_dimension_numbers<[0], [0], [1], [1], [0, 1, 1, 1], [], []>, transpose_lhs_hint = false} : vector<144x32xf32>, vector<144x8192xf32>, vector<32x8192xf32> -> vector<32x8192xf32>
    %get3A_6 = arith.constant 0 : index
    %get3A_7 = arith.constant 0 : index
    %get3A_8 = vector.load %arg3[%get3A_6, %get3A_7] : memref<32x1xf32, #tpu.memory_space<vmem>>, vector<32x1xf32>
    %add3A = vector.broadcast %get3A_8 : vector<32x1xf32> to vector<32x8192xf32>
    %add3A_9 = arith.addf %dot_general3A_5, %add3A : vector<32x8192xf32>
    %swap3A = arith.constant 0 : index
    %swap3A_10 = arith.constant 0 : index
    %swap3A_11 = vector.load %arg4[%swap3A, %swap3A_10] : memref<32x8192xf32, #tpu.memory_space<vmem>>, vector<32x8192xf32>
    tpu.vector_store %arg4[%swap3A, %swap3A_10], %add3A_9 {strides = array<i32>} : memref<32x8192xf32, #tpu.memory_space<vmem>>, vector<32x8192xf32>,
    return
  }
  func.func @transform_0(%arg0: i32) -> (i32, i32) {
    %c0_i32 = arith.constant 0 : i32
    %c0_i32_0 = arith.constant 0 : i32
    %c0_i32_1 = arith.constant 0 : i32
    return %c0_i32, %c0_i32_0 : i32, i32
  }
  func.func @transform_1(%arg0: i32) -> (i32, i32) {
    %c0_i32 = arith.constant 0 : i32
    %c0_i32_0 = arith.constant 0 : i32
    return %c0_i32, %arg0 : i32, i32
  }
  func.func @transform_2(%arg0: i32) -> (i32, i32) {
    %c0_i32 = arith.constant 0 : i32
    %c0_i32_0 = arith.constant 0 : i32
    %c0_i32_1 = arith.constant 0 : i32
    return %c0_i32, %c0_i32_0 : i32, i32
  }
  func.func @transform_3(%arg0: i32) -> (i32, i32) {
    %c0_i32 = arith.constant 0 : i32
    %c0_i32_0 = arith.constant 0 : i32
    return %c0_i32, %arg0 : i32, i32
  }
}

module attributes {stable_mosaic.version = 14 : i64} {
  func.func @body(%arg0: i32, %arg1: memref<64x32xf32, #tpu.memory_space<vmem>>, %arg2: memref<64x8192xf32, #tpu.memory_space<vmem>>, %arg3: memref<32x1xf32, #tpu.memory_space<vmem>>, %arg4: memref<32x8192xf32, #tpu.memory_space<vmem>>) attributes {dimension_semantics = [#tpu.dimension_semantics<arbitrary>], iteration_bounds = array<i64: 32>, scalar_prefetch = 0 : i64, scratch_operands = 0 : i64, tpu.core_type = #tpu.core_type<tc>, window_params = [{pipeline_mode = #tpu.pipeline_mode<synchronous>, transform_indices = @transform_0, window_bounds = array<i64: 64, 32>}, {transform_indices = @transform_1, window_bounds = array<i64: 64, 8192>}, {pipeline_mode = #tpu.pipeline_mode<synchronous>, transform_indices = @transform_2, window_bounds = array<i64: 32, 1>}, {transform_indices = @transform_3, window_bounds = array<i64: 32, 8192>}]} {
    %get3A = arith.constant 0 : index
    %get3A_0 = arith.constant 0 : index
    %get3A_1 = vector.load %arg1[%get3A, %get3A_0] : memref<64x32xf32, #tpu.memory_space<vmem>>, vector<64x32xf32>
    %get3A_2 = arith.constant 0 : index
    %get3A_3 = arith.constant 0 : index
    %get3A_4 = vector.load %arg2[%get3A_2, %get3A_3] : memref<64x8192xf32, #tpu.memory_space<vmem>>, vector<64x8192xf32>
    %dot_general3A = arith.constant dense<0.000000e+00> : vector<32x8192xf32>
    %dot_general3A_5 = tpu.matmul %get3A_1, %get3A_4, %dot_general3A {dimension_numbers = #tpu.dot_dimension_numbers<[0], [0], [1], [1], [0, 1, 1, 1], [], []>, transpose_lhs_hint = false} : vector<64x32xf32>, vector<64x8192xf32>, vector<32x8192xf32> -> vector<32x8192xf32>
    %get3A_6 = arith.constant 0 : index
    %get3A_7 = arith.constant 0 : index
    %get3A_8 = vector.load %arg3[%get3A_6, %get3A_7] : memref<32x1xf32, #tpu.memory_space<vmem>>, vector<32x1xf32>
    %add3A = vector.broadcast %get3A_8 : vector<32x1xf32> to vector<32x8192xf32>
    %add3A_9 = arith.addf %dot_general3A_5, %add3A : vector<32x8192xf32>
    %swap3A = arith.constant 0 : index
    %swap3A_10 = arith.constant 0 : index
    %swap3A_11 = vector.load %arg4[%swap3A, %swap3A_10] : memref<32x8192xf32, #tpu.memory_space<vmem>>, vector<32x8192xf32>
    tpu.vector_store %arg4[%swap3A, %swap3A_10], %add3A_9 {strides = array<i32>} : memref<32x8192xf32, #tpu.memory_space<vmem>>, vector<32x8192xf32>,
    return
  }
  func.func @transform_0(%arg0: i32) -> (i32, i32) {
    %c0_i32 = arith.constant 0 : i32
    %c0_i32_0 = arith.constant 0 : i32
    %c0_i32_1 = arith.constant 0 : i32
    return %c0_i32, %c0_i32_0 : i32, i32
  }
  func.func @transform_1(%arg0: i32) -> (i32, i32) {
    %c0_i32 = arith.constant 0 : i32
    %c0_i32_0 = arith.constant 0 : i32
    return %c0_i32, %arg0 : i32, i32
  }
  func.func @transform_2(%arg0: i32) -> (i32, i32) {
    %c0_i32 = arith.constant 0 : i32
    %c0_i32_0 = arith.constant 0 : i32
    %c0_i32_1 = arith.constant 0 : i32
    return %c0_i32, %c0_i32_0 : i32, i32
  }
  func.func @transform_3(%arg0: i32) -> (i32, i32) {
    %c0_i32 = arith.constant 0 : i32
    %c0_i32_0 = arith.constant 0 : i32
    return %c0_i32, %arg0 : i32, i32
  }
}

module attributes {stable_mosaic.version = 14 : i64} {
  func.func @body(%arg0: i32, %arg1: memref<256x2048xf32, #tpu.memory_space<vmem>>, %arg2: memref<1024x2048xf32, #tpu.memory_space<vmem>>, %arg3: memref<1x1024xf32, #tpu.memory_space<vmem>>, %arg4: memref<10x1024xf32, #tpu.memory_space<vmem>>, %arg5: memref<1x10xf32, #tpu.memory_space<vmem>>, %arg6: memref<256x10xf32, #tpu.memory_space<vmem>>, %arg7: memref<256x1024xf32, #tpu.memory_space<vmem>>) attributes {dimension_semantics = [#tpu.dimension_semantics<arbitrary>], iteration_bounds = array<i64: 16>, scalar_prefetch = 0 : i64, scratch_operands = 1 : i64, tpu.core_type = #tpu.core_type<tc>, window_params = [{transform_indices = @transform_0, window_bounds = array<i64: 256, 2048>}, {transform_indices = @transform_1, window_bounds = array<i64: 1024, 2048>}, {pipeline_mode = #tpu.pipeline_mode<synchronous>, transform_indices = @transform_2, window_bounds = array<i64: 1, 1024>}, {pipeline_mode = #tpu.pipeline_mode<synchronous>, transform_indices = @transform_3, window_bounds = array<i64: 10, 1024>}, {pipeline_mode = #tpu.pipeline_mode<synchronous>, transform_indices = @transform_4, window_bounds = array<i64: 1, 10>}, {pipeline_mode = #tpu.pipeline_mode<synchronous>, transform_indices = @transform_5, window_bounds = array<i64: 256, 10>}]} {
    %eq3A = arith.constant 0 : i32
    %eq3A_0 = arith.cmpi eq, %arg0, %eq3A : i32
    %convert_element_type3A = arith.extui %eq3A_0 : i1 to i32
    %cond3A = arith.constant 0 : i32
    %cond3A_1 = arith.cmpi ne, %convert_element_type3A, %cond3A : i32
    scf.if %cond3A_1 {
      %broadcast_in_dim3A = arith.constant 0.000000e+00 : f32
      %broadcast_in_dim3A_18 = vector.broadcast %broadcast_in_dim3A : f32 to vector<256x1024xf32>
      %swap3A_19 = arith.constant 0 : index
      %swap3A_20 = arith.constant 0 : index
      %swap3A_21 = vector.load %arg7[%swap3A_19, %swap3A_20] : memref<256x1024xf32, #tpu.memory_space<vmem>>, vector<256x1024xf32>
      tpu.vector_store %arg7[%swap3A_19, %swap3A_20], %broadcast_in_dim3A_18 {strides = array<i32>} : memref<256x1024xf32, #tpu.memory_space<vmem>>, vector<256x1024xf32>,
    } else {
    }
    %get3A = arith.constant 0 : index
    %get3A_2 = arith.constant 0 : index
    %get3A_3 = vector.load %arg7[%get3A, %get3A_2] : memref<256x1024xf32, #tpu.memory_space<vmem>>, vector<256x1024xf32>
    %get3A_4 = arith.constant 0 : index
    %get3A_5 = arith.constant 0 : index
    %get3A_6 = vector.load %arg1[%get3A_4, %get3A_5] : memref<256x2048xf32, #tpu.memory_space<vmem>>, vector<256x2048xf32>
    %get3A_7 = arith.constant 0 : index
    %get3A_8 = arith.constant 0 : index
    %get3A_9 = vector.load %arg2[%get3A_7, %get3A_8] : memref<1024x2048xf32, #tpu.memory_space<vmem>>, vector<1024x2048xf32>
    %dot_general3A = arith.constant dense<0.000000e+00> : vector<256x1024xf32>
    %dot_general3A_10 = tpu.matmul %get3A_6, %get3A_9, %dot_general3A {dimension_numbers = #tpu.dot_dimension_numbers<[1], [1], [0], [0], [0, 0, 1, 0], [], []>, transpose_lhs_hint = false} : vector<256x2048xf32>, vector<1024x2048xf32>, vector<256x1024xf32> -> vector<256x1024xf32>
    %add3A = arith.addf %get3A_3, %dot_general3A_10 : vector<256x1024xf32>
    %swap3A = arith.constant 0 : index
    %swap3A_11 = arith.constant 0 : index
    %swap3A_12 = vector.load %arg7[%swap3A, %swap3A_11] : memref<256x1024xf32, #tpu.memory_space<vmem>>, vector<256x1024xf32>
    tpu.vector_store %arg7[%swap3A, %swap3A_11], %add3A {strides = array<i32>} : memref<256x1024xf32, #tpu.memory_space<vmem>>, vector<256x1024xf32>,
    %eq3A_13 = arith.constant 15 : i32
    %eq3A_14 = arith.cmpi eq, %arg0, %eq3A_13 : i32
    %convert_element_type3A_15 = arith.extui %eq3A_14 : i1 to i32
    %cond3A_16 = arith.constant 0 : i32
    %cond3A_17 = arith.cmpi ne, %convert_element_type3A_15, %cond3A_16 : i32
    scf.if %cond3A_17 {
      %get3A_18 = arith.constant 0 : index
      %get3A_19 = arith.constant 0 : index
      %get3A_20 = vector.load %arg7[%get3A_18, %get3A_19] : memref<256x1024xf32, #tpu.memory_space<vmem>>, vector<256x1024xf32>
      %get3A_21 = arith.constant 0 : index
      %get3A_22 = arith.constant 0 : index
      %get3A_23 = vector.load %arg3[%get3A_21, %get3A_22] : memref<1x1024xf32, #tpu.memory_space<vmem>>, vector<1x1024xf32>
      %add3A_24 = vector.broadcast %get3A_23 : vector<1x1024xf32> to vector<256x1024xf32>
      %add3A_25 = arith.addf %get3A_20, %add3A_24 : vector<256x1024xf32>
      %max3A = arith.constant 0.000000e+00 : f32
      %max3A_26 = vector.broadcast %max3A : f32 to vector<256x1024xf32>
      %max3A_27 = arith.maximumf %add3A_25, %max3A_26 : vector<256x1024xf32>
      %get3A_28 = arith.constant 0 : index
      %get3A_29 = arith.constant 0 : index
      %get3A_30 = vector.load %arg4[%get3A_28, %get3A_29] : memref<10x1024xf32, #tpu.memory_space<vmem>>, vector<10x1024xf32>
      %dot_general3A_31 = arith.constant dense<0.000000e+00> : vector<256x10xf32>
      %dot_general3A_32 = tpu.matmul %max3A_27, %get3A_30, %dot_general3A_31 {dimension_numbers = #tpu.dot_dimension_numbers<[1], [1], [0], [0], [0, 0, 1, 0], [], []>, transpose_lhs_hint = false} : vector<256x1024xf32>, vector<10x1024xf32>, vector<256x10xf32> -> vector<256x10xf32>
      %get3A_33 = arith.constant 0 : index
      %get3A_34 = arith.constant 0 : index
      %get3A_35 = vector.load %arg5[%get3A_33, %get3A_34] : memref<1x10xf32, #tpu.memory_space<vmem>>, vector<1x10xf32>
      %add3A_36 = vector.broadcast %get3A_35 : vector<1x10xf32> to vector<256x10xf32>
      %add3A_37 = arith.addf %dot_general3A_32, %add3A_36 : vector<256x10xf32>
      %swap3A_38 = arith.constant 0 : index
      %swap3A_39 = arith.constant 0 : index
      %swap3A_40 = vector.load %arg6[%swap3A_38, %swap3A_39] : memref<256x10xf32, #tpu.memory_space<vmem>>, vector<256x10xf32>
      tpu.vector_store %arg6[%swap3A_38, %swap3A_39], %add3A_37 {strides = array<i32>} : memref<256x10xf32, #tpu.memory_space<vmem>>, vector<256x10xf32>,
    } else {
    }
    return
  }
  func.func @transform_0(%arg0: i32) -> (i32, i32) {
    %c0_i32 = arith.constant 0 : i32
    %c0_i32_0 = arith.constant 0 : i32
    return %c0_i32, %arg0 : i32, i32
  }
  func.func @transform_1(%arg0: i32) -> (i32, i32) {
    %c0_i32 = arith.constant 0 : i32
    %c0_i32_0 = arith.constant 0 : i32
    return %c0_i32, %arg0 : i32, i32
  }
  func.func @transform_2(%arg0: i32) -> (i32, i32) {
    %c0_i32 = arith.constant 0 : i32
    %c0_i32_0 = arith.constant 0 : i32
    %c0_i32_1 = arith.constant 0 : i32
    return %c0_i32, %c0_i32_0 : i32, i32
  }
  func.func @transform_3(%arg0: i32) -> (i32, i32) {
    %c0_i32 = arith.constant 0 : i32
    %c0_i32_0 = arith.constant 0 : i32
    %c0_i32_1 = arith.constant 0 : i32
    return %c0_i32, %c0_i32_0 : i32, i32
  }
  func.func @transform_4(%arg0: i32) -> (i32, i32) {
    %c0_i32 = arith.constant 0 : i32
    %c0_i32_0 = arith.constant 0 : i32
    %c0_i32_1 = arith.constant 0 : i32
    return %c0_i32, %c0_i32_0 : i32, i32
  }
  func.func @transform_5(%arg0: i32) -> (i32, i32) {
    %c0_i32 = arith.constant 0 : i32
    %c0_i32_0 = arith.constant 0 : i32
    %c0_i32_1 = arith.constant 0 : i32
    return %c0_i32, %c0_i32_0 : i32, i32
  }
}

</mosaic_0001>

<sc_bundles>
// kernel: sparse-core-data-format-call.1.cloned.1.call-start
scs
called_computation.1_lowered:
.L_overlay_start_0:
0x0: {  	s1 =	sld [smem:$0x3FD9]  }
0x1: {  	s2 =	sld [smem:$0x3FFE];
	_ =	sdelay $0x1  }
0x2: {  	s3 =	srdreg.scid  }
0x3: {  	s0 =	sand.u32 $0x1, s3  }
0x4: {  	s17 =	sshll.u32 s0, $0xA;
	s1 =	sadd.s32 s2, s1  }
0x5: {  	s1 =	sadd.s32 s1, s17  }
0x6: {  	[smem:$0x3FB7] =	sst s1  }
0x7: {  	_ = 	snop  }
0x8: {  	(tm) =	ssettm $0x1  }
0x9: {  	s18 =	sld [smem:$0x3FFB];
	_ =	sdelay $0x3  }
0xa: {  	_ =	strace s18  }
0xb: {  	s1 =	sld [smem:$0x3FFC];
	_ =	sdelay $0x3  }
0xc: {  	_ =	strace s1  }
0xd: {  	s1 =	sld [smem:$0x3FFD];
	_ =	sdelay $0x3  }
0xe: {  	_ =	strace s1  }
0xf: {  	_ =	strace $0x8FFFFFFF  }
0x10: {  	s19 =	sld [smem:$0x3FDB];
	_ =	sdelay $0x1  }
0x11: {  	s20 =	simm.s32 $_scs_section_size  }
0x12: {  	s4 =	simm.s32 $_size__tile_overlayer_lowered;
	s5 =	simm.s32 $_tile_overlayer_lowered  }
0x13: {  	s23 =	simm.s32 $0x1BFF;
	s22 =	sshll.u32 s5, $0x1;
	s1 =	sadd.s32 s20, s19  }
0x14: {  	s6 =	simm.s32 $0x0;
	s21 =	sshll.u32 s4, $0x1;
	s4 =	sadd.s32 s22, s1  }
0x15: {  	[timem:s6], [sflag:s23] =	dma.local [hbm:s4], s21  }
0x16: {  	_ =	swait.ge [sflag:s23], s21  }
0x17: {  	s2 =	ssub.s32 $0x0, s21;
	[sflag:s23] =	ssyncset.done $0x0  }
0x18: {  	[sflag:s23] =	ssyncadd.s32 s2;
	_ =	sdelay $0x1  }
0x19: {  	s24 =	simm.s32 $0x1B8B  }
0x1a: {  	_ =	swait.ge [sflag:s24], $0x1  }
0x1b: {  	[sflag:s24] =	ssyncset.done $0x0  }
0x1c: {  	s26 =	simm.s32 $0x1B8E;
	s25 =	sld [smem:$0x3FFE];
	[sflag:s24] =	ssyncadd.s32 $0xFFFFFFFF  }
0x1d: {  	s27 =	simm.s32 $execute0_lowered;
	[smem:$0x3FD2] =	sst s26  }
0x1e: {  	s4 =	sshll.u32 s27, $0x1;
	_ =	strace $0x8000004C;
	[dreg:$0x1] =	wrdreg $0xFFFFFFFF  }
0x1f: {  	s28 =	simm.s32 $_size_execute0_lowered;
	s1 =	sadd.s32 s1, s4;
	[dreg:$0x0] =	wrdreg $0x0  }
0x20: {  	s4 =	sshll.u32 s28, $0x1;
	[dreg:$0x2] =	wrdreg s1  }
0x21: {  	[dreg:$0x3] =	wrdreg s4  }
0x22: {  	[dreg:$0x4] =	wrdreg $0xC0  }
0x23: {  	_ =	task [dreg:s6], $0x5FFFF  }
0x24: {  	[dreg:$0x1] =	wrdreg $0xFFFFFFFF  }
0x25: {  	[dreg:$0x0] =	wrdreg $0x60  }
0x26: {  	[dreg:$0x2] =	wrdreg s25  }
0x27: {  	[dreg:$0x3] =	wrdreg $0x9  }
0x28: {  	_ =	task.clear_ibuf [dreg:s6], $0x4FFFF;
	_ =	strace $0x9000004C  }
0x29: {  	s29 =	simm.s32 $0x9;
	_ =	strace $0x8000004E  }
0x2a: {  	_ =	swait.ge [sflag:s29], $0x1  }
0x2b: {  	[sflag:s29] =	ssyncadd.s32 $0xFFFFFFFF  }
0x2c: {  	_ =	strace $0x9000004E  }
0x2d: {  	_ =	sfence  }
0x2e: {  	s30 =	sld [smem:$0x0];
	_ =	sdelay $0x2  }
0x2f: {  	s31 =	sshll.u32 s3, $0xD;
	s3 =	sshrl.u32 s3, $0x2  }
0x30: {  	s2 =	sand.u32 $0x4000, s31;
	s1 =	sadd.s32 s3, s30  }
0x31: {  	s0 =	sor.u32 s2, s0;
	s1 =	sshll.u32 s1, $0x11  }
0x32: {  	s0 =	sor.u32 s1, s0  }
0x33: {  	s0 =	sadd.s32 $0x8F2B, s0  }
0x34: {  	[sflag:s0] =	ssyncadd.remote.s32 $0x1  }
0x35: {  	_ =	sfence.sel $0xFFFF  }
0x36: {  	[dreg:$0x0] =	wrdreg $0xFFFFFFFF;
	(pc) =	sbr.abs _section_cstart, $3  }
0x37: {  	[dreg:$0x1] =	wrdreg $0xFFFFFFFF  }
0x38: {  	_ =	task.clear_ibuf [dreg:s6], $0x2FFFF;
	_ =	strace $0x9FFFFFFF  }
0x39: {  	(tm) =	ssettm $0x7FFFFFFF  }
tec
execute0_lowered:
.L_overlay_start_1:
0x0: {  	(tag) =	ssettag $0x1  }
0x1: {  	s0 =	srdreg.scid;
	s3 =	stileid.u32  }
0x2: {  	s1 =	rddreg [dreg:$0x0];
	_ =	strace $0x8000004D;
	s0 =	sshll.u32 s0, $0x4  }
0x3: {  	s2 =	simm.s32 $0x1;
	s31 =	simm.s32 $0x2;
	s0 =	sor.u32 s3, s0  }
0x4: {  	s11 =	simm.s32 $0x0;
	s12 =	simm.s32 $0x0;
	s0 =	sshrl.u32 s0, $0x1  }
0x5: {  	s13 =	simm.s32 $0x0;
	s5 =	sadd.s32 $0x3600, s1;
	s4 =	sand.u32 $0xE, s0  }
0x6: {  	s1 =	sadd.s32 $0x103600, s1;
	s6 =	sand.u32 $0x3, s3;
	s0 =	ssub.s32 $0x100, s4  }
0x7: {  	[dreg:$0x4] =	wrdreg s1;
	s1 =	simm.s32 $0x1;
	s30 =	sand.u32 $0xE, s0  }
.Ltmp0:
0x8: {  	[dreg:$0x3] =	wrdreg s5;
	p0 =	sne.s32 s30, $0x0;
	(pc) =	sbr.rel .LBB1_1-.Ltmp0, $4  }
0x9: {  	[dreg:$0x5] =	wrdreg s6;
	s0 =	sshrl.u32 s0, $0x4;
	s1 =	simm.s32 @!p0 $0x0  }
0xa: {  	[sflag:s2] =	ssyncpa.u1 $0x0;
	[dreg:$0x2] =	wrdreg s4;
	s7 =	sadd.s32 s1, s0  }
0xb: {  	[sflag:s31] =	ssyncpa.u1 $0x0;
	s8 =	sadd.s32 $0x1, s7;
	[dreg:$0x6] =	wrdreg s7  }
0xc: {  	s10 =	smov.u32 s6;
	s9 =	smov.u32 s4;
	[dreg:$0x7] =	wrdreg s8  }
.LBB1_9:
0xd: {  	s0 =	sadd.s32 $0x10, s9  }
0xe: {  	s2 =	sadd.s32 $0x4, s10;
	s3 =	smov.u32 s10;
	p1 =	sgt.s32 s0, $0xFF  }
0xf: {  	s3 =	smov.u32 @p1 s2  }
0x10: {  	s0 =	smov.u32 @p1 s4;
	p1 =	sgt.s32 s3, $0x3  }
0x11: {  	s3 =	smov.u32 @p1 s6;
	p1 =	sne.s32 s13, s8  }
.Ltmp1:
0x12: {  	p0 =	slt.u32 s13, $0x2;
	(pc) =	sbr.rel @!p1 .LBB1_10-.Ltmp1, $4  }
0x13: {  	s1 =	simm.s32 @!p0 $0x2  }
0x14: {  	s11 =	smov.u32 s9;
	_ =	swait.ge @!p0 [sflag:s1], $0x4000  }
0x15: {  	s12 =	smov.u32 s10;
	[sflag:s1] =	ssyncset.done @!p0 $0x0;
	s9 =	smov.u32 s0  }
0x16: {  	s13 =	sadd.s32 $0x1, s13;
	[sflag:s1] =	ssyncadd.s32 @!p0 $0xFFFFC000;
	s10 =	smov.u32 s3  }
.LBB1_1:
0x17: {  	p0 =	sge.u32 s13, s7  }
0x18: {  	s31 =	sadd.s32 $0xFFFFFFFF, s13;
	s0 =	sxor.u32 @!p0 $0xFFFFFFFF, s13;
	s1 =	sshll.u32 @!p0 s10, $0x12  }
0x19: {  	s2 =	sshll.u32 @!p0 s9, $0xA;
	s0 =	sshll.u32 @!p0 s0, $0xE;
	s1 =	sadd.s32 @!p0 s5, s1  }
0x1a: {  	s0 =	sand.u32 @!p0 $0x4000, s0;
	s1 =	sadd.s32 @!p0 s2, s1;
	s2 =	simm.s32 @!p0 $0x0  }
0x1b: {  	[tilespmem:s0], [sflag:$0x1] =	stream.linear.gather @!p0 [hbm4b:s1+s2], $0x4000, $0x38;
	[tilespmem:$0x10000] =	vst v63  }
0x1c: {  	p0 =	sge.u32 s31, s7  }
.Ltmp2:
0x1d: {  	_ = 	snop;
	(pc) =	sbr.rel @p0 .LBB1_9-.Ltmp2, $1  }
0x1e: {  	_ =	sdelay $0x3  }
0x1f: {  	[dreg:$0xb] =	wrdreg s12  }
0x20: {  	[dreg:$0xa] =	wrdreg s11;
	s0 =	sshll.u32 s13, $0xE  }
0x21: {  	[dreg:$0x9] =	wrdreg s10;
	s0 =	sand.u32 $0x4000, s0  }
0x22: {  	[dreg:$0x8] =	wrdreg s9;
	s1 =	simm.s32 $0x1;
	v0 =	vmov s0  }
0x23: {  	_ =	swait.ge [sflag:s1], $0x4000  }
0x24: {  	s17 =	simm.s32 $0x0;
	[sflag:s1] =	ssyncset.done $0x0;
	s2 =	sor.u32 $0x8000, s0  }
0x25: {  	p1 =	por $0x1, $0x1;
	[sflag:s1] =	ssyncadd.s32 $0xFFFFC000;
	[dreg:$0xc] =	wrdreg s2;
	v1 =	vmov s2  }
.LBB1_3:
0x26: {  	s18 =	sor.u32 $0x10, s17;
	s19 =	sor.u32 $0x20, s17;
	s20 =	sor.u32 $0x30, s17  }
0x27: {  	s21 =	sor.u32 $0x40, s17;
	s22 =	sor.u32 $0x50, s17;
	s23 =	sor.u32 $0x60, s17  }
0x28: {  	s24 =	sor.u32 $0x70, s17;
	s25 =	sor.u32 $0x400, s17;
	p0 =	por p1, p1  }
0x29: {  	s26 =	sor.u32 $0x800, s17;
	s27 =	sor.u32 $0xC00, s17;
	s28 =	simm.s32 $0x0  }
.LBB1_4:
0x2a: {  	s2 =	sshll.u32 s28, $0x7;
	s6 =	simm.s32 $0x0  }
0x2b: {  	p1 =	por $0x1, $0x1;
	s29 =	sor.u32 s17, s2;
	s30 =	sor.u32 s18, s2  }
0x2c: {  	s31 =	sor.u32 s19, s2;
	s1 =	sor.u32 s20, s2;
	s0 =	sor.u32 s21, s2  }
0x2d: {  	s9 =	sor.u32 s22, s2;
	s10 =	sor.u32 s23, s2;
	s4 =	sor.u32 s24, s2  }
0x2e: {  	s5 =	sor.u32 s25, s2;
	s3 =	sor.u32 s26, s2;
	s8 =	sor.u32 s27, s2  }
.LBB1_5:
0x2f: {  	s2 =	sor.u32 s6, s30  }
0x30: {  	s16 =	sor.u32 s6, s31;
	v2 =	vld.idx.msk [tilespmem:v0+s2+$0x0 ss:$0x1], $0xffff  }
0x31: {  	s7 =	sor.u32 s6, s1;
	v3 =	vld.idx.msk [tilespmem:v0+s16+$0x0 ss:$0x1], $0xffff  }
0x32: {  	s14 =	sor.u32 s6, s0;
	v4 =	vld.idx.msk [tilespmem:v0+s7+$0x0 ss:$0x1], $0xffff  }
0x33: {  	s15 =	sor.u32 s6, s9;
	v5 =	vld.idx.msk [tilespmem:v0+s14+$0x0 ss:$0x1], $0xffff  }
0x34: {  	s11 =	sor.u32 s6, s10;
	v6 =	vld.idx.msk [tilespmem:v0+s15+$0x0 ss:$0x1], $0xffff  }
0x35: {  	s12 =	sor.u32 s6, s4;
	[tilespmem:v1+s2+$0x0 ss:$0x1] =	vst.idx.msk $0xffff, v2;
	v2 =	vld.idx.msk [tilespmem:v0+s11+$0x0 ss:$0x1], $0xffff  }
0x36: {  	s2 =	sor.u32 s6, s29;
	[tilespmem:v1+s16+$0x0 ss:$0x1] =	vst.idx.msk $0xffff, v3;
	v3 =	vld.idx.msk [tilespmem:v0+s12+$0x0 ss:$0x1], $0xffff;
	s16 =	sor.u32 s6, s5  }
0x37: {  	[tilespmem:v1+s7+$0x0 ss:$0x1] =	vst.idx.msk $0xffff, v4;
	v49 =	vld.idx.msk [tilespmem:v0+s16+$0x0 ss:$0x1], $0xffff;
	s7 =	sor.u32 $0x410, s2  }
0x38: {  	[tilespmem:v1+s14+$0x0 ss:$0x1] =	vst.idx.msk $0xffff, v5;
	s14 =	sor.u32 $0x420, s2;
	v50 =	vld.idx.msk [tilespmem:v0+s7+$0x0 ss:$0x1], $0xffff  }
0x39: {  	[tilespmem:v1+s15+$0x0 ss:$0x1] =	vst.idx.msk $0xffff, v6;
	s15 =	sor.u32 $0x430, s2;
	v51 =	vld.idx.msk [tilespmem:v0+s14+$0x0 ss:$0x1], $0xffff  }
0x3a: {  	[tilespmem:v1+s11+$0x0 ss:$0x1] =	vst.idx.msk $0xffff, v2;
	v2 =	vld.idx.msk [tilespmem:v0+s15+$0x0 ss:$0x1], $0xffff;
	s11 =	sor.u32 $0x440, s2  }
0x3b: {  	[tilespmem:v1+s12+$0x0 ss:$0x1] =	vst.idx.msk $0xffff, v3;
	s12 =	sor.u32 $0x450, s2;
	v3 =	vld.idx.msk [tilespmem:v0+s11+$0x0 ss:$0x1], $0xffff  }
0x3c: {  	[tilespmem:v1+s16+$0x0 ss:$0x1] =	vst.idx.msk $0xffff, v49;
	v52 =	vld.idx.msk [tilespmem:v0+s12+$0x0 ss:$0x1], $0xffff;
	s16 =	sor.u32 $0x460, s2  }
0x3d: {  	[tilespmem:v1+s7+$0x0 ss:$0x1] =	vst.idx.msk $0xffff, v50;
	v53 =	vld.idx.msk [tilespmem:v0+s16+$0x0 ss:$0x1], $0xffff;
	s7 =	sor.u32 $0x470, s2  }
0x3e: {  	[tilespmem:v1+s14+$0x0 ss:$0x1] =	vst.idx.msk $0xffff, v51;
	s14 =	sor.u32 s6, s3;
	v54 =	vld.idx.msk [tilespmem:v0+s7+$0x0 ss:$0x1], $0xffff  }
0x3f: {  	[tilespmem:v1+s15+$0x0 ss:$0x1] =	vst.idx.msk $0xffff, v2;
	v2 =	vld.idx.msk [tilespmem:v0+s14+$0x0 ss:$0x1], $0xffff;
	s15 =	sor.u32 $0x810, s2  }
0x40: {  	s6 =	sor.u32 s6, s8;
	[tilespmem:v1+s11+$0x0 ss:$0x1] =	vst.idx.msk $0xffff, v3;
	v3 =	vld.idx.msk [tilespmem:v0+s15+$0x0 ss:$0x1], $0xffff  }
0x41: {  	v59 =	vld.idx.msk [tilespmem:v0+s6+$0x0 ss:$0x1], $0xffff;
	s11 =	sor.u32 $0x820, s2;
	[tilespmem:v1+s12+$0x0 ss:$0x1] =	vst.idx.msk $0xffff, v52  }
0x42: {  	s12 =	sor.u32 $0x830, s2;
	v55 =	vld.idx.msk [tilespmem:v0+s11+$0x0 ss:$0x1], $0xffff;
	[tilespmem:v1+s16+$0x0 ss:$0x1] =	vst.idx.msk $0xffff, v53  }
0x43: {  	v56 =	vld.idx.msk [tilespmem:v0+s12+$0x0 ss:$0x1], $0xffff;
	[tilespmem:v1+s7+$0x0 ss:$0x1] =	vst.idx.msk $0xffff, v54;
	s7 =	sor.u32 $0x850, s2  }
0x44: {  	[tilespmem:v1+s14+$0x0 ss:$0x1] =	vst.idx.msk $0xffff, v2;
	v2 =	vld.idx.msk [tilespmem:v0+s7+$0x0 ss:$0x1], $0xffff;
	s14 =	sor.u32 $0x860, s2  }
0x45: {  	s16 =	sor.u32 $0x840, s2;
	[tilespmem:v1+s15+$0x0 ss:$0x1] =	vst.idx.msk $0xffff, v3;
	v3 =	vld.idx.msk [tilespmem:v0+s14+$0x0 ss:$0x1], $0xffff  }
0x46: {  	v57 =	vld.idx.msk [tilespmem:v0+s16+$0x0 ss:$0x1], $0xffff;
	[tilespmem:v1+s6+$0x0 ss:$0x1] =	vst.idx.msk $0xffff, v59;
	s15 =	sor.u32 $0x870, s2  }
0x47: {  	[tilespmem:v1+s11+$0x0 ss:$0x1] =	vst.idx.msk $0xffff, v55;
	v58 =	vld.idx.msk [tilespmem:v0+s15+$0x0 ss:$0x1], $0xffff;
	s11 =	sor.u32 $0xC10, s2  }
0x48: {  	[tilespmem:v1+s12+$0x0 ss:$0x1] =	vst.idx.msk $0xffff, v56;
	v60 =	vld.idx.msk [tilespmem:v0+s11+$0x0 ss:$0x1], $0xffff  }
0x49: {  	[tilespmem:v1+s7+$0x0 ss:$0x1] =	vst.idx.msk $0xffff, v2;
	v2 =	vld.idx.msk [tilespmem:v0+s2+$0x0 ss:$0x1], $0xffff;
	s7 =	sor.u32 $0xC20, s2  }
0x4a: {  	s12 =	sor.u32 $0xC30, s2;
	[tilespmem:v1+s14+$0x0 ss:$0x1] =	vst.idx.msk $0xffff, v3;
	v3 =	vld.idx.msk [tilespmem:v0+s7+$0x0 ss:$0x1], $0xffff  }
0x4b: {  	[tilespmem:v1+s16+$0x0 ss:$0x1] =	vst.idx.msk $0xffff, v57;
	v61 =	vld.idx.msk [tilespmem:v0+s12+$0x0 ss:$0x1], $0xffff;
	s14 =	sor.u32 $0xC40, s2  }
0x4c: {  	[tilespmem:v1+s15+$0x0 ss:$0x1] =	vst.idx.msk $0xffff, v58;
	v62 =	vld.idx.msk [tilespmem:v0+s14+$0x0 ss:$0x1], $0xffff;
	s15 =	sor.u32 $0xC50, s2  }
0x4d: {  	s16 =	sor.u32 $0xC60, s2;
	[tilespmem:v1+s11+$0x0 ss:$0x1] =	vst.idx.msk $0xffff, v60;
	v63 =	vld.idx.msk [tilespmem:v0+s15+$0x0 ss:$0x1], $0xffff  }
0x4e: {  	[tilespmem:v1+s2+$0x0 ss:$0x1] =	vst.idx.msk $0xffff, v2;
	v2 =	vld.idx.msk [tilespmem:v0+s16+$0x0 ss:$0x1], $0xffff;
	s2 =	sor.u32 $0xC70, s2  }
0x4f: {  	p2 =	por p1, p1;
	[tilespmem:v1+s7+$0x0 ss:$0x1] =	vst.idx.msk $0xffff, v3;
	v3 =	vld.idx.msk [tilespmem:v0+s2+$0x0 ss:$0x1], $0xffff  }
.Ltmp3:
0x50: {  	[tilespmem:v1+s12+$0x0 ss:$0x1] =	vst.idx.msk $0xffff, v61;
	(pc) =	sbr.rel @p2 .LBB1_5-.Ltmp3, $4  }
0x51: {  	[tilespmem:v1+s14+$0x0 ss:$0x1] =	vst.idx.msk $0xffff, v62  }
0x52: {  	[tilespmem:v1+s15+$0x0 ss:$0x1] =	vst.idx.msk $0xffff, v63  }
0x53: {  	[tilespmem:v1+s16+$0x0 ss:$0x1] =	vst.idx.msk $0xffff, v2  }
0x54: {  	p1 =	por $0x0, $0x0;
	s6 =	simm.s32 $0x1000;
	[tilespmem:v1+s2+$0x0 ss:$0x1] =	vst.idx.msk $0xffff, v3  }
0x55: {  	s28 =	sadd.s32 $0x1, s28  }
0x56: {  	p1 =	sne.s32 s28, $0x8  }
.Ltmp4:
0x57: {  	_ = 	snop;
	(pc) =	sbr.rel @p1 .LBB1_4-.Ltmp4, $1  }
0x58: {  	_ =	sdelay $0x3  }
.Ltmp5:
0x59: {  	(pc) =	sbr.rel @p0 .LBB1_3-.Ltmp5, $2  }
0x5a: {  	_ =	sdelay $0x2  }
0x5b: {  	s17 =	simm.s32 $0x2000;
	p1 =	por $0x0, $0x0  }
0x5c: {  	s0 =	rddreg [dreg:$0xb]  }
0x5d: {  	s1 =	rddreg [dreg:$0xa]  }
0x5e: {  	s2 =	rddreg [dreg:$0x4]  }
0x5f: {  	s3 =	rddreg [dreg:$0xc]  }
0x60: {  	s4 =	rddreg [dreg:$0x2]  }
0x61: {  	s5 =	rddreg [dreg:$0x3]  }
0x62: {  	s6 =	rddreg [dreg:$0x5]  }
.Ltmp6:
0x63: {  	s7 =	rddreg [dreg:$0x6];
	(pc) =	sbr.rel .LBB1_9-.Ltmp6, $4  }
0x64: {  	s30 =	simm.s32 $0x2000;
	s8 =	rddreg [dreg:$0x7];
	s0 =	sshll.u32 s0, $0xA  }
0x65: {  	s9 =	rddreg [dreg:$0x8];
	s1 =	sshll.u32 s1, $0xC;
	s0 =	sadd.s32 s2, s0  }
0x66: {  	s31 =	simm.s32 $0x8000;
	s10 =	rddreg [dreg:$0x9];
	s0 =	sadd.s32 s1, s0  }
0x67: {  	[hbm4b:s0+s30] =	stream.strided.scatter [tilespmem:s3], [sflag:$0x2], $0x4000, s31, s30, $0x38;
	[tilespmem:$0x10000] =	vst v63  }
.LBB1_10:
0x68: {  	_ =	sfence.sel $0x180000  }
0x69: {  	s0 =	simm.s32 $0x1;
	[bflag:$0x0] =	sbarrier.arrive $0xFFFF  }
0x6a: {  	s30 =	simm.s32 $0x2;
	[sflag:s0] =	ssyncpa.u1 $0x1  }
0x6b: {  	[sflag:s30] =	ssyncpa.u1 $0x1  }
0x6c: {  	_ =	strace $0x9000004D  }
0x6d: {  	s31 =	stileid.u32;
	[bflag:$0x2] =	sbarrier.arrive $0xFFFF  }
0x6e: {  	p0 =	sne.s32 s31, $0x0;
	s0 =	rddreg [dreg:$0x1]  }
0x6f: {  	s0 =	sadd.s32 @!p0 $0x100000, s0  }
0x70: {  	[sflag:s0] =	ssyncadd.tile.s32 @!p0 $0x1;
	_ =	shalt  }
.Lfunc_end1:
_tile_overlayer_lowered:
.L_overlay_start_2:
0x71: {  	(tag) =	ssettag $0x2  }
0x72: {  	s0 =	rddreg [dreg:$0x0];
	s2 =	stileid.u32  }
0x73: {  	s1 =	rddreg [dreg:$0x1];
	p0 =	sne.s32 s2, $0x0  }
0x74: {  	s3 =	rddreg [dreg:$0x2];
	[bflag:$0x3] =	sbarrier.arrive $0xFFFF;
	s2 =	simm.s32 @!p0 $0x1C01  }
0x75: {  	[timem:s3], [sflag:s2] =	dma.local @!p0 [hbm:s0], s1  }
0x76: {  	s0 =	simm.s32 @!p0 $0x1  }
0x77: {  	_ =	swait.ge @!p0 [sflag:s0], s1  }
0x78: {  	s1 =	ssub.s32 @!p0 $0x0, s1;
	[sflag:s0] =	ssyncset.done @!p0 $0x0  }
0x79: {  	[sflag:s0] =	ssyncadd.s32 @!p0 s1  }
0x7a: {  	[bflag:$0x3] =	sbarrier.arrive $0xFFFF  }
0x7b: {  	_ =	shalt  }

// kernel: sparse-core-data-format-call.2.cloned.1.call-start
scs
called_computation.2_lowered:
.L_overlay_start_0:
0x0: {  	s1 =	sld [smem:$0x3FD9]  }
0x1: {  	s2 =	sld [smem:$0x3FFE];
	_ =	sdelay $0x1  }
0x2: {  	s3 =	srdreg.scid  }
0x3: {  	s0 =	sand.u32 $0x1, s3  }
0x4: {  	s17 =	sshll.u32 s0, $0xA;
	s1 =	sadd.s32 s2, s1  }
0x5: {  	s1 =	sadd.s32 s1, s17  }
0x6: {  	[smem:$0x3FB7] =	sst s1  }
0x7: {  	_ = 	snop  }
0x8: {  	(tm) =	ssettm $0x1  }
0x9: {  	s18 =	sld [smem:$0x3FFB];
	_ =	sdelay $0x3  }
0xa: {  	_ =	strace s18  }
0xb: {  	s1 =	sld [smem:$0x3FFC];
	_ =	sdelay $0x3  }
0xc: {  	_ =	strace s1  }
0xd: {  	s1 =	sld [smem:$0x3FFD];
	_ =	sdelay $0x3  }
0xe: {  	_ =	strace s1  }
0xf: {  	_ =	strace $0x8FFFFFFF  }
0x10: {  	s19 =	sld [smem:$0x3FDB];
	_ =	sdelay $0x1  }
0x11: {  	s20 =	simm.s32 $_scs_section_size  }
0x12: {  	s4 =	simm.s32 $_size__tile_overlayer_lowered;
	s5 =	simm.s32 $_tile_overlayer_lowered  }
0x13: {  	s23 =	simm.s32 $0x1BFF;
	s22 =	sshll.u32 s5, $0x1;
	s1 =	sadd.s32 s20, s19  }
0x14: {  	s6 =	simm.s32 $0x0;
	s21 =	sshll.u32 s4, $0x1;
	s4 =	sadd.s32 s22, s1  }
0x15: {  	[timem:s6], [sflag:s23] =	dma.local [hbm:s4], s21  }
0x16: {  	_ =	swait.ge [sflag:s23], s21  }
0x17: {  	s2 =	ssub.s32 $0x0, s21;
	[sflag:s23] =	ssyncset.done $0x0  }
0x18: {  	[sflag:s23] =	ssyncadd.s32 s2;
	_ =	sdelay $0x1  }
0x19: {  	s24 =	simm.s32 $0x1B8B  }
0x1a: {  	_ =	swait.ge [sflag:s24], $0x1  }
0x1b: {  	[sflag:s24] =	ssyncset.done $0x0  }
0x1c: {  	s26 =	simm.s32 $0x1B8E;
	s25 =	sld [smem:$0x3FFE];
	[sflag:s24] =	ssyncadd.s32 $0xFFFFFFFF  }
0x1d: {  	s27 =	simm.s32 $execute0_lowered;
	[smem:$0x3FD2] =	sst s26  }
0x1e: {  	s4 =	sshll.u32 s27, $0x1;
	_ =	strace $0x80000049;
	[dreg:$0x1] =	wrdreg $0xFFFFFFFF  }
0x1f: {  	s28 =	simm.s32 $_size_execute0_lowered;
	s1 =	sadd.s32 s1, s4;
	[dreg:$0x0] =	wrdreg $0x0  }
0x20: {  	s4 =	sshll.u32 s28, $0x1;
	[dreg:$0x2] =	wrdreg s1  }
0x21: {  	[dreg:$0x3] =	wrdreg s4  }
0x22: {  	[dreg:$0x4] =	wrdreg $0xC0  }
0x23: {  	_ =	task [dreg:s6], $0x5FFFF  }
0x24: {  	[dreg:$0x1] =	wrdreg $0xFFFFFFFF  }
0x25: {  	[dreg:$0x0] =	wrdreg $0x60  }
0x26: {  	[dreg:$0x2] =	wrdreg s25  }
0x27: {  	[dreg:$0x3] =	wrdreg $0x9  }
0x28: {  	_ =	task.clear_ibuf [dreg:s6], $0x4FFFF;
	_ =	strace $0x90000049  }
0x29: {  	s29 =	simm.s32 $0x9;
	_ =	strace $0x8000004B  }
0x2a: {  	_ =	swait.ge [sflag:s29], $0x1  }
0x2b: {  	[sflag:s29] =	ssyncadd.s32 $0xFFFFFFFF  }
0x2c: {  	_ =	strace $0x9000004B  }
0x2d: {  	_ =	sfence  }
0x2e: {  	s30 =	sld [smem:$0x0];
	_ =	sdelay $0x2  }
0x2f: {  	s31 =	sshll.u32 s3, $0xD;
	s3 =	sshrl.u32 s3, $0x2  }
0x30: {  	s2 =	sand.u32 $0x4000, s31;
	s1 =	sadd.s32 s3, s30  }
0x31: {  	s0 =	sor.u32 s2, s0;
	s1 =	sshll.u32 s1, $0x11  }
0x32: {  	s0 =	sor.u32 s1, s0  }
0x33: {  	s0 =	sadd.s32 $0x8F2B, s0  }
0x34: {  	[sflag:s0] =	ssyncadd.remote.s32 $0x1  }
0x35: {  	_ =	sfence.sel $0xFFFF  }
0x36: {  	[dreg:$0x0] =	wrdreg $0xFFFFFFFF;
	(pc) =	sbr.abs _section_cstart, $3  }
0x37: {  	[dreg:$0x1] =	wrdreg $0xFFFFFFFF  }
0x38: {  	_ =	task.clear_ibuf [dreg:s6], $0x2FFFF;
	_ =	strace $0x9FFFFFFF  }
0x39: {  	(tm) =	ssettm $0x7FFFFFFF  }
tec
execute0_lowered:
.L_overlay_start_1:
0x0: {  	(tag) =	ssettag $0x1  }
0x1: {  	s0 =	srdreg.scid  }
0x2: {  	s1 =	sshll.u32 s0, $0x4  }
0x3: {  	s4 =	rddreg [dreg:$0x0];
	s0 =	stileid.u32;
	s1 =	sand.u32 $0x10, s1  }
0x4: {  	s7 =	simm.s32 $0x1;
	s8 =	simm.s32 $0x2;
	s2 =	sor.u32 s0, s1  }
0x5: {  	s11 =	simm.s32 $0x0;
	s10 =	simm.s32 $0x0;
	s2 =	sshll.u32 s2, $0x7  }
0x6: {  	s3 =	sadd.s32 $0x183600, s4;
	s4 =	sadd.s32 $0x3600, s4;
	s6 =	ssub.s32 $0x40000, s2  }
.Ltmp0:
0x7: {  	s1 =	rddreg [dreg:$0x1];
	s5 =	sand.u32 $0xF80, s6;
	(pc) =	sbr.rel .LBB1_1-.Ltmp0, $4  }
0x8: {  	_ =	strace $0x8000004A;
	s9 =	smov.u32 s2;
	p0 =	sne.s32 s5, $0x0  }
0x9: {  	s6 =	sshrl.u32 s6, $0xC;
	s5 =	simm.s32 $0x1;
	s7 =	simm.s32 @!p0 $0x0  }
0xa: {  	[sflag:s5] =	ssyncpa.u1 $0x0;
	p0 =	por $0x0, $0x0;
	s6 =	sadd.s32 s7, s6  }
0xb: {  	[sflag:s8] =	ssyncpa.u1 $0x0;
	s8 =	simm.s32 $0x200000;
	s7 =	sadd.s32 $0x1, s6  }
.LBB1_4:
0xc: {  	s13 =	sshll.u32 s11, $0x3  }
0xd: {  	s15 =	sand.u32 $0x78, s11;
	s13 =	sand.u32 $0x3FC00, s13  }
0xe: {  	s30 =	sand.u32 $0xF8000, s11;
	s31 =	sand.u32 $0x7, s11;
	s13 =	sor.u32 s15, s13  }
0xf: {  	s11 =	sshll.u32 s31, $0x12;
	s15 =	sadd.s32 s4, s30;
	s13 =	sshrl.u32 s13, $0x3  }
0x10: {  	[tilespmem:s14+$0x0 ss:$0x81] =	vst.msk $0xffff, v0;
	s11 =	sor.u32 $0x400, s11;
	s13 =	sadd.s32 s13, s15  }
0x11: {  	[hbm4b:s13+s11] =	stream.strided.scatter [tilespmem:s12], [sflag:$0x2], $0x1000, s8, s11, $0x20;
	[tilespmem:$0x4040] =	vst v63  }
.LBB1_5:
0x12: {  	s13 =	sadd.s32 $0x1000, s9  }
0x13: {  	p2 =	sgt.s32 s13, $0x3FFFF  }
0x14: {  	s13 =	smov.u32 @p2 s2;
	p2 =	sne.s32 s10, s7  }
.Ltmp1:
0x15: {  	p1 =	slt.u32 s10, $0x2;
	(pc) =	sbr.rel @!p2 .LBB1_6-.Ltmp1, $4  }
0x16: {  	s12 =	simm.s32 @!p1 $0x2  }
0x17: {  	s14 =	sadd.s32 $0x1, s10;
	_ =	swait.ge @!p1 [sflag:s12], $0x1000  }
0x18: {  	s11 =	smov.u32 s9;
	p0 =	por !p0, !p0;
	[sflag:s12] =	ssyncset.done @!p1 $0x0  }
0x19: {  	s10 =	smov.u32 s14;
	s9 =	smov.u32 s13;
	[sflag:s12] =	ssyncadd.s32 @!p1 $0xFFFFF000  }
.LBB1_1:
0x1a: {  	p1 =	sge.u32 s10, s6  }
0x1b: {  	s31 =	sadd.s32 $0xFFFFFFFF, s10;
	s12 =	sxor.u32 @!p1 $0xFFFFFFFF, s10;
	s13 =	sshll.u32 @!p1 s9, $0x4  }
0x1c: {  	s14 =	simm.s32 @!p1 $0x20;
	s12 =	sshll.u32 @!p1 s12, $0xC;
	s13 =	sand.u32 @!p1 $0x3FFFF0, s13  }
0x1d: {  	s15 =	simm.s32 @!p1 $0x80;
	s12 =	sand.u32 @!p1 $0x1000, s12;
	s13 =	sadd.s32 @!p1 s3, s13  }
0x1e: {  	[tilespmem:s12], [sflag:$0x1] =	stream.strided.gather @!p1 [hbm4b:s13+s14], $0x1000, s15, s14, $0x38;
	[tilespmem:$0x4040] =	vst v63  }
0x1f: {  	p1 =	sge.u32 s31, s6  }
.Ltmp2:
0x20: {  	_ = 	snop;
	(pc) =	sbr.rel @p1 .LBB1_5-.Ltmp2, $1  }
0x21: {  	_ =	sdelay $0x3  }
0x22: {  	s12 =	simm.s32 $0x1  }
0x23: {  	_ =	swait.ge [sflag:s5], $0x1000;
	s12 =	simm.s32 @!p0 $0x0  }
0x24: {  	[sflag:s5] =	ssyncset.done $0x0;
	s13 =	sshll.u32 s12, $0xC  }
0x25: {  	[sflag:s5] =	ssyncadd.s32 $0xFFFFF000;
	s16 =	sor.u32 $0x10, s13  }
0x26: {  	s12 =	smul.u32 $0x4080, s12;
	v1 =	vld [tilespmem:s16+$0x0]  }
0x27: {  	s30 =	sand.u32 $0x1, s10;
	v0 =	vld [tilespmem:s16+$0xFFFFFFF0]  }
0x28: {  	s14 =	smul.u32 $0x4080, s30;
	s12 =	sshrl.u32 s12, $0x2  }
0x29: {  	s13 =	sor.u32 $0x2000, s12  }
0x2a: {  	s31 =	sshrl.u32 s14, $0x2;
	s14 =	sadd.s32 $0x0, s13  }
0x2b: {  	s15 =	simm.s32 $0x4;
	s16 =	sadd.s32 $0x20, s16;
	s12 =	sor.u32 $0x2000, s31;
	[tilespmem:s14+$0x810 ss:$0x81] =	vst.msk $0xffff, v1  }
.LBB1_3:
0x2c: {  	v1 =	vld [tilespmem:s16+$0x0];
	p1 =	sne.s32 s15, $0x1FC;
	[tilespmem:s14+$0x0 ss:$0x81] =	vst.msk $0xffff, v0;
	s14 =	smov.u32 s15;
	s15 =	sadd.s32 $0x4, s15  }
.Ltmp3:
0x2d: {  	v0 =	vld [tilespmem:s16+$0xFFFFFFF0];
	(pc) =	sbr.rel @p1 .LBB1_3-.Ltmp3, $4  }
0x2e: {  	_ = 	snop  }
0x2f: {  	s14 =	sshra.s32 s14, $0x2  }
0x30: {  	s14 =	sadd.s32 s14, s13  }
0x31: {  	s16 =	sadd.s32 $0x20, s16;
	[tilespmem:s14+$0x810 ss:$0x81] =	vst.msk $0xffff, v1  }
.Ltmp4:
0x32: {  	_ = 	snop;
	(pc) =	sbr.rel .LBB1_4-.Ltmp4, $1  }
0x33: {  	_ =	sdelay $0x3  }
.LBB1_6:
0x34: {  	_ =	sfence.sel $0x180000  }
0x35: {  	s2 =	simm.s32 $0x1;
	[bflag:$0x0] =	sbarrier.arrive $0xFFFF  }
0x36: {  	s31 =	simm.s32 $0x2;
	[sflag:s2] =	ssyncpa.u1 $0x1  }
0x37: {  	[sflag:s31] =	ssyncpa.u1 $0x1  }
0x38: {  	p0 =	sne.s32 s0, $0x0;
	_ =	strace $0x9000004A  }
0x39: {  	s0 =	sadd.s32 @!p0 $0x100000, s1;
	[bflag:$0x2] =	sbarrier.arrive $0xFFFF  }
0x3a: {  	[sflag:s0] =	ssyncadd.tile.s32 @!p0 $0x1;
	_ =	shalt  }
.Lfunc_end1:
_tile_overlayer_lowered:
.L_overlay_start_2:
0x3b: {  	(tag) =	ssettag $0x2  }
0x3c: {  	s0 =	rddreg [dreg:$0x0];
	s2 =	stileid.u32  }
0x3d: {  	s1 =	rddreg [dreg:$0x1];
	p0 =	sne.s32 s2, $0x0  }
0x3e: {  	s3 =	rddreg [dreg:$0x2];
	[bflag:$0x3] =	sbarrier.arrive $0xFFFF;
	s2 =	simm.s32 @!p0 $0x1C01  }
0x3f: {  	[timem:s3], [sflag:s2] =	dma.local @!p0 [hbm:s0], s1  }
0x40: {  	s0 =	simm.s32 @!p0 $0x1  }
0x41: {  	_ =	swait.ge @!p0 [sflag:s0], s1  }
0x42: {  	s1 =	ssub.s32 @!p0 $0x0, s1;
	[sflag:s0] =	ssyncset.done @!p0 $0x0  }
0x43: {  	[sflag:s0] =	ssyncadd.s32 @!p0 s1  }
0x44: {  	[bflag:$0x3] =	sbarrier.arrive $0xFFFF  }
0x45: {  	_ =	shalt  }

// kernel: sparse-core-data-format-call.3.cloned.1.call-start
scs
called_computation.3_lowered:
.L_overlay_start_0:
0x0: {  	s1 =	sld [smem:$0x3FD9]  }
0x1: {  	s2 =	sld [smem:$0x3FFE];
	_ =	sdelay $0x1  }
0x2: {  	s3 =	srdreg.scid  }
0x3: {  	s0 =	sand.u32 $0x1, s3  }
0x4: {  	s17 =	sshll.u32 s0, $0xA;
	s1 =	sadd.s32 s2, s1  }
0x5: {  	s1 =	sadd.s32 s1, s17  }
0x6: {  	[smem:$0x3FB7] =	sst s1  }
0x7: {  	_ = 	snop  }
0x8: {  	(tm) =	ssettm $0x1  }
0x9: {  	s18 =	sld [smem:$0x3FFB];
	_ =	sdelay $0x3  }
0xa: {  	_ =	strace s18  }
0xb: {  	s1 =	sld [smem:$0x3FFC];
	_ =	sdelay $0x3  }
0xc: {  	_ =	strace s1  }
0xd: {  	s1 =	sld [smem:$0x3FFD];
	_ =	sdelay $0x3  }
0xe: {  	_ =	strace s1  }
0xf: {  	_ =	strace $0x8FFFFFFF  }
0x10: {  	s19 =	sld [smem:$0x3FDB];
	_ =	sdelay $0x1  }
0x11: {  	s20 =	simm.s32 $_scs_section_size  }
0x12: {  	s4 =	simm.s32 $_size__tile_overlayer_lowered;
	s5 =	simm.s32 $_tile_overlayer_lowered  }
0x13: {  	s23 =	simm.s32 $0x1BFF;
	s22 =	sshll.u32 s5, $0x1;
	s1 =	sadd.s32 s20, s19  }
0x14: {  	s6 =	simm.s32 $0x0;
	s21 =	sshll.u32 s4, $0x1;
	s4 =	sadd.s32 s22, s1  }
0x15: {  	[timem:s6], [sflag:s23] =	dma.local [hbm:s4], s21  }
0x16: {  	_ =	swait.ge [sflag:s23], s21  }
0x17: {  	s2 =	ssub.s32 $0x0, s21;
	[sflag:s23] =	ssyncset.done $0x0  }
0x18: {  	[sflag:s23] =	ssyncadd.s32 s2;
	_ =	sdelay $0x1  }
0x19: {  	s24 =	simm.s32 $0x1B8B  }
0x1a: {  	_ =	swait.ge [sflag:s24], $0x1  }
0x1b: {  	[sflag:s24] =	ssyncset.done $0x0  }
0x1c: {  	s26 =	simm.s32 $0x1B8E;
	s25 =	sld [smem:$0x3FFE];
	[sflag:s24] =	ssyncadd.s32 $0xFFFFFFFF  }
0x1d: {  	s27 =	simm.s32 $execute0_lowered;
	[smem:$0x3FD2] =	sst s26  }
0x1e: {  	s4 =	sshll.u32 s27, $0x1;
	_ =	strace $0x80000046;
	[dreg:$0x1] =	wrdreg $0xFFFFFFFF  }
0x1f: {  	s28 =	simm.s32 $_size_execute0_lowered;
	s1 =	sadd.s32 s1, s4;
	[dreg:$0x0] =	wrdreg $0x0  }
0x20: {  	s4 =	sshll.u32 s28, $0x1;
	[dreg:$0x2] =	wrdreg s1  }
0x21: {  	[dreg:$0x3] =	wrdreg s4  }
0x22: {  	[dreg:$0x4] =	wrdreg $0xC0  }
0x23: {  	_ =	task [dreg:s6], $0x5FFFF  }
0x24: {  	[dreg:$0x1] =	wrdreg $0xFFFFFFFF  }
0x25: {  	[dreg:$0x0] =	wrdreg $0x60  }
0x26: {  	[dreg:$0x2] =	wrdreg s25  }
0x27: {  	[dreg:$0x3] =	wrdreg $0x9  }
0x28: {  	_ =	task.clear_ibuf [dreg:s6], $0x4FFFF;
	_ =	strace $0x90000046  }
0x29: {  	s29 =	simm.s32 $0x9;
	_ =	strace $0x80000048  }
0x2a: {  	_ =	swait.ge [sflag:s29], $0x1  }
0x2b: {  	[sflag:s29] =	ssyncadd.s32 $0xFFFFFFFF  }
0x2c: {  	_ =	strace $0x90000048  }
0x2d: {  	_ =	sfence  }
0x2e: {  	s30 =	sld [smem:$0x0];
	_ =	sdelay $0x2  }
0x2f: {  	s31 =	sshll.u32 s3, $0xD;
	s3 =	sshrl.u32 s3, $0x2  }
0x30: {  	s2 =	sand.u32 $0x4000, s31;
	s1 =	sadd.s32 s3, s30  }
0x31: {  	s0 =	sor.u32 s2, s0;
	s1 =	sshll.u32 s1, $0x11  }
0x32: {  	s0 =	sor.u32 s1, s0  }
0x33: {  	s0 =	sadd.s32 $0x8F2B, s0  }
0x34: {  	[sflag:s0] =	ssyncadd.remote.s32 $0x1  }
0x35: {  	_ =	sfence.sel $0xFFFF  }
0x36: {  	[dreg:$0x0] =	wrdreg $0xFFFFFFFF;
	(pc) =	sbr.abs _section_cstart, $3  }
0x37: {  	[dreg:$0x1] =	wrdreg $0xFFFFFFFF  }
0x38: {  	_ =	task.clear_ibuf [dreg:s6], $0x2FFFF;
	_ =	strace $0x9FFFFFFF  }
0x39: {  	(tm) =	ssettm $0x7FFFFFFF  }
tec
execute0_lowered:
.L_overlay_start_1:
0x0: {  	(tag) =	ssettag $0x1  }
0x1: {  	s5 =	rddreg [dreg:$0x0]  }
0x2: {  	s1 =	stileid.u32;
	s0 =	rddreg [dreg:$0x1]  }
0x3: {  	_ =	strace $0x80000047;
	s6 =	srdreg.scid;
	s31 =	simm.s32 $0x2  }
0x4: {  	s18 =	simm.s32 $0x0;
	p0 =	por $0x0, $0x0;
	s10 =	simm.s32 $0x20000  }
0x5: {  	s19 =	simm.s32 $0x0;
	s21 =	simm.s32 $0x0;
	s22 =	simm.s32 $0x0  }
0x6: {  	s23 =	simm.s32 $0x0;
	s20 =	simm.s32 $0x0;
	s11 =	simm.s32 $0x0  }
0x7: {  	s12 =	simm.s32 $0x0;
	s16 =	simm.s32 $0x0;
	s17 =	simm.s32 $0x0  }
0x8: {  	s2 =	sand.u32 $0x1, s1;
	s3 =	sshrl.u32 s1, $0x1;
	s6 =	sshll.u32 s6, $0x4  }
0x9: {  	s3 =	sand.u32 $0x1, s3;
	s4 =	ssub.s32 $0x2, s2;
	s6 =	sand.u32 $0x10, s6  }
0xa: {  	s15 =	smov.u32 s2;
	s7 =	sshrl.u32 s4, $0x1;
	s8 =	ssub.s32 $0x2, s3  }
0xb: {  	s4 =	sand.u32 $0x1, s4;
	s9 =	sshrl.u32 s8, $0x1;
	s8 =	sand.u32 $0x1, s8  }
.Ltmp0:
0xc: {  	s7 =	sadd.s32 s4, s7;
	s8 =	sadd.s32 s8, s9;
	(pc) =	sbr.rel .LBB1_1-.Ltmp0, $4  }
0xd: {  	s30 =	sor.u32 s1, s6;
	s6 =	simm.s32 $0x1;
	s7 =	smul.u32 s8, s7  }
0xe: {  	s14 =	smov.u32 s3;
	s4 =	sadd.s32 $0x83600, s5;
	s5 =	sadd.s32 $0x183600, s5  }
0xf: {  	[sflag:s6] =	ssyncpa.u1 $0x0;
	s8 =	sshrl.u32 s30, $0x2;
	s7 =	sshll.u32 s7, $0x6  }
0x10: {  	[sflag:s31] =	ssyncpa.u1 $0x0;
	s13 =	smov.u32 s8;
	s9 =	sor.u32 $0x1, s7  }
.LBB1_4:
0x11: {  	v5 =	vld [tilespmem:s27+$0xFFFFFFD0];
	[tilespmem:s26+$0x840 ss:$0x21] =	vst.msk $0xffff, v1  }
0x12: {  	v58 =	vld [tilespmem:s27+$0xFFFFFFE0];
	[tilespmem:s26+$0xA50 ss:$0x21] =	vst.msk $0xffff, v2  }
0x13: {  	s28 =	sshra.s32 s28, $0x2;
	v59 =	vld [tilespmem:s27+$0xFFFFFFF0];
	[tilespmem:s26+$0xC60 ss:$0x21] =	vst.msk $0xffff, v3  }
0x14: {  	v60 =	vld [tilespmem:s27+$0x0];
	[tilespmem:s26+$0x0 ss:$0x21] =	vst.msk $0xffff, v0;
	s25 =	sadd.s32 s28, s25  }
0x15: {  	v61 =	vld [tilespmem:s27+$0x10];
	[tilespmem:s25+$0xE70 ss:$0x21] =	vst.msk $0xffff, v4  }
0x16: {  	v62 =	vld [tilespmem:s27+$0x20];
	s23 =	sshll.u32 s23, $0x9;
	s29 =	sshrl.u32 s20, $0x3;
	[tilespmem:s25+$0x210 ss:$0x21] =	vst.msk $0xffff, v5  }
0x17: {  	v63 =	vld [tilespmem:s27+$0xFFFFFFC0];
	s26 =	sand.u32 $0xF, s29;
	s23 =	sadd.s32 s5, s23;
	[tilespmem:s25+$0x420 ss:$0x21] =	vst.msk $0xffff, v58  }
0x18: {  	s21 =	sshll.u32 s21, $0xA;
	s22 =	sshll.u32 s22, $0x4;
	s23 =	sadd.s32 s26, s23;
	[tilespmem:s25+$0x630 ss:$0x21] =	vst.msk $0xffff, v59  }
0x19: {  	s22 =	sand.u32 $0x10, s22;
	s21 =	sadd.s32 s21, s23;
	[tilespmem:s25+$0x840 ss:$0x21] =	vst.msk $0xffff, v60  }
0x1a: {  	s19 =	sshll.u32 s19, $0x5;
	s30 =	sand.u32 $0x7, s20;
	s21 =	sadd.s32 s22, s21;
	[tilespmem:s25+$0xA50 ss:$0x21] =	vst.msk $0xffff, v61  }
0x1b: {  	s18 =	sshll.u32 s18, $0xE;
	s20 =	sshll.u32 s30, $0x12;
	[tilespmem:s25+$0xC60 ss:$0x21] =	vst.msk $0xffff, v62;
	s19 =	sadd.s32 s19, s21  }
0x1c: {  	s31 =	sor.u32 $0x20, s20;
	[tilespmem:s25+$0x0 ss:$0x21] =	vst.msk $0xffff, v63;
	s18 =	sadd.s32 s18, s19  }
0x1d: {  	[hbm4b:s18+s31] =	stream.strided.scatter [tilespmem:s24], [sflag:$0x2], $0x1000, s10, s31, $0x10;
	[tilespmem:$0x4100] =	vst v63  }
.LBB1_5:
0x1e: {  	s24 =	sadd.s32 $0x80, s11  }
0x1f: {  	s18 =	simm.s32 $0x1;
	p2 =	sgt.s32 s24, $0xFF  }
0x20: {  	s18 =	simm.s32 @!p2 $0x0  }
0x21: {  	s25 =	sadd.s32 s18, s12  }
0x22: {  	s26 =	smov.u32 s13;
	s18 =	sadd.s32 $0x8, s13;
	p3 =	sgt.s32 s25, $0xF  }
0x23: {  	s27 =	smov.u32 s14;
	s26 =	smov.u32 @p3 s18  }
0x24: {  	s28 =	smov.u32 s15;
	s18 =	sadd.s32 $0x2, s14;
	p4 =	sgt.s32 s26, $0xF  }
0x25: {  	p1 =	slt.u32 s17, $0x2;
	s29 =	smov.u32 s16;
	s27 =	smov.u32 @p4 s18  }
0x26: {  	s19 =	smov.u32 s12;
	s18 =	sadd.s32 $0x2, s15;
	p5 =	sgt.s32 s27, $0x1  }
0x27: {  	s21 =	smov.u32 s13;
	s22 =	smov.u32 s14;
	s28 =	smov.u32 @p5 s18  }
0x28: {  	s24 =	simm.s32 @p2 $0x0;
	s18 =	sadd.s32 $0x20, s16;
	p2 =	sgt.s32 s28, $0x1  }
0x29: {  	s23 =	smov.u32 s15;
	s20 =	smov.u32 s16;
	s29 =	smov.u32 @p2 s18  }
0x2a: {  	s30 =	simm.s32 @!p1 $0x2;
	s28 =	smov.u32 @p2 s2;
	p2 =	sgt.s32 s29, $0x1F  }
0x2b: {  	_ =	swait.ge @!p1 [sflag:s30], $0x1000;
	s29 =	simm.s32 @p2 $0x0;
	p2 =	sne.s32 s17, s9  }
.Ltmp1:
0x2c: {  	p0 =	por !p0, !p0;
	[sflag:s30] =	ssyncset.done @!p1 $0x0;
	(pc) =	sbr.rel @!p2 .LBB1_6-.Ltmp1, $4  }
0x2d: {  	[sflag:s30] =	ssyncadd.s32 @!p1 $0xFFFFF000;
	s25 =	simm.s32 @p3 $0x0;
	s26 =	smov.u32 @p4 s8  }
0x2e: {  	s12 =	smov.u32 s25;
	s13 =	smov.u32 s26;
	s27 =	smov.u32 @p5 s3  }
0x2f: {  	s14 =	smov.u32 s27;
	s18 =	smov.u32 s11;
	s11 =	smov.u32 s24  }
0x30: {  	s15 =	smov.u32 s28;
	s17 =	sadd.s32 $0x1, s17;
	s16 =	smov.u32 s29  }
.LBB1_1:
0x31: {  	p1 =	sge.u32 s17, s7  }
0x32: {  	s31 =	sadd.s32 $0xFFFFFFFF, s17;
	s24 =	sxor.u32 @!p1 $0xFFFFFFFF, s17  }
0x33: {  	s25 =	sshll.u32 @!p1 s12, $0x8;
	s26 =	sshll.u32 @!p1 s11, $0x3;
	s27 =	sshll.u32 @!p1 s12, $0x7  }
0x34: {  	s28 =	sand.u32 @!p1 $0x78, s11;
	s25 =	sand.u32 @!p1 $0x800, s25;
	s26 =	sand.u32 @!p1 $0xC00, s26  }
0x35: {  	s29 =	sshll.u32 @!p1 s15, $0xE;
	s25 =	sadd.s32 @!p1 s25, s26;
	s26 =	sand.u32 @!p1 $0x300, s27  }
0x36: {  	s24 =	sshll.u32 @!p1 s24, $0xC;
	s25 =	sor.u32 @!p1 s26, s25;
	s26 =	sshll.u32 @!p1 s16, $0xF  }
0x37: {  	s24 =	sand.u32 @!p1 $0x1000, s24;
	s27 =	sand.u32 @!p1 $0x80, s27;
	s26 =	sadd.s32 @!p1 s4, s26  }
0x38: {  	s27 =	sor.u32 @!p1 s28, s27;
	s28 =	sshll.u32 @!p1 s14, $0xD;
	s26 =	sadd.s32 @!p1 s29, s26  }
0x39: {  	s25 =	sshrl.u32 @!p1 s25, $0x3;
	s29 =	sshll.u32 @!p1 s13, $0x9;
	s26 =	sadd.s32 @!p1 s28, s26  }
0x3a: {  	s27 =	sshrl.u32 @!p1 s27, $0x3;
	s28 =	sand.u32 @!p1 $0x7, s11;
	s26 =	sadd.s32 @!p1 s29, s26  }
0x3b: {  	s25 =	sand.u32 @!p1 $0x1E0, s25;
	s26 =	sadd.s32 @!p1 s27, s26;
	s27 =	sshll.u32 @!p1 s28, $0x12  }
0x3c: {  	s25 =	sadd.s32 @!p1 s25, s26;
	s26 =	sor.u32 @!p1 $0x80, s27;
	s27 =	simm.s32 @!p1 $0x40000  }
0x3d: {  	[tilespmem:s24], [sflag:$0x1] =	stream.strided.gather @!p1 [hbm4b:s25+s26], $0x1000, s27, s26, $0x38;
	[tilespmem:$0x4100] =	vst v63  }
0x3e: {  	p1 =	sge.u32 s31, s7  }
.Ltmp2:
0x3f: {  	_ = 	snop;
	(pc) =	sbr.rel @p1 .LBB1_5-.Ltmp2, $1  }
0x40: {  	_ =	sdelay $0x3  }
0x41: {  	s24 =	simm.s32 $0x1  }
0x42: {  	_ =	swait.ge [sflag:s6], $0x1000;
	s24 =	simm.s32 @!p0 $0x0  }
0x43: {  	[sflag:s6] =	ssyncset.done $0x0;
	s25 =	sshll.u32 s24, $0xC  }
0x44: {  	[sflag:s6] =	ssyncadd.s32 $0xFFFFF000;
	s27 =	sor.u32 $0x40, s25  }
0x45: {  	s24 =	smul.u32 $0x4200, s24;
	v0 =	vld [tilespmem:s27+$0x30]  }
0x46: {  	v3 =	vld [tilespmem:s27+$0xFFFFFFD0]  }
0x47: {  	s24 =	sshrl.u32 s24, $0x2;
	v4 =	vld [tilespmem:s27+$0xFFFFFFE0]  }
0x48: {  	v5 =	vld [tilespmem:s27+$0xFFFFFFF0];
	s25 =	sor.u32 $0x2000, s24  }
0x49: {  	s31 =	sand.u32 $0x1, s17;
	v1 =	vld [tilespmem:s27+$0x0];
	s26 =	sadd.s32 $0x0, s25  }
0x4a: {  	v2 =	vld [tilespmem:s27+$0x10];
	s24 =	smul.u32 $0x4200, s31;
	[tilespmem:s26+$0xE70 ss:$0x21] =	vst.msk $0xffff, v0  }
0x4b: {  	[tilespmem:s26+$0x210 ss:$0x21] =	vst.msk $0xffff, v3;
	v3 =	vld [tilespmem:s27+$0x20]  }
0x4c: {  	s24 =	sshrl.u32 s24, $0x2;
	v0 =	vld [tilespmem:s27+$0xFFFFFFC0];
	[tilespmem:s26+$0x420 ss:$0x21] =	vst.msk $0xffff, v4;
	s27 =	sadd.s32 $0x80, s27  }
0x4d: {  	s28 =	simm.s32 $0x4;
	s29 =	simm.s32 $0x8;
	s24 =	sor.u32 $0x2000, s24;
	[tilespmem:s26+$0x630 ss:$0x21] =	vst.msk $0xffff, v5;
	v4 =	vld [tilespmem:s27+$0x30]  }
.LBB1_3:
0x4e: {  	p1 =	sne.s32 s29, $0x7C;
	v5 =	vld [tilespmem:s27+$0xFFFFFFD0];
	[tilespmem:s26+$0x840 ss:$0x21] =	vst.msk $0xffff, v1  }
0x4f: {  	v6 =	vld [tilespmem:s27+$0xFFFFFFE0];
	[tilespmem:s26+$0xA50 ss:$0x21] =	vst.msk $0xffff, v2  }
0x50: {  	s30 =	sshra.s32 s28, $0x2;
	s28 =	smov.u32 s29;
	v7 =	vld [tilespmem:s27+$0xFFFFFFF0];
	[tilespmem:s26+$0xC60 ss:$0x21] =	vst.msk $0xffff, v3  }
.Ltmp3:
0x51: {  	v1 =	vld [tilespmem:s27+$0x0];
	[tilespmem:s26+$0x0 ss:$0x21] =	vst.msk $0xffff, v0;
	s26 =	sadd.s32 s30, s25;
	(pc) =	sbr.rel @p1 .LBB1_3-.Ltmp3, $4  }
0x52: {  	v2 =	vld [tilespmem:s27+$0x10];
	[tilespmem:s26+$0xE70 ss:$0x21] =	vst.msk $0xffff, v4  }
0x53: {  	[tilespmem:s26+$0x210 ss:$0x21] =	vst.msk $0xffff, v5;
	v3 =	vld [tilespmem:s27+$0x20]  }
0x54: {  	v0 =	vld [tilespmem:s27+$0xFFFFFFC0];
	[tilespmem:s26+$0x420 ss:$0x21] =	vst.msk $0xffff, v6;
	s27 =	sadd.s32 $0x80, s27  }
0x55: {  	s29 =	sadd.s32 $0x4, s29;
	v4 =	vld [tilespmem:s27+$0x30];
	[tilespmem:s26+$0x630 ss:$0x21] =	vst.msk $0xffff, v7  }
.Ltmp4:
0x56: {  	_ = 	snop;
	(pc) =	sbr.rel .LBB1_4-.Ltmp4, $1  }
0x57: {  	_ =	sdelay $0x3  }
.LBB1_6:
0x58: {  	_ =	sfence.sel $0x180000  }
0x59: {  	s2 =	simm.s32 $0x1;
	[bflag:$0x0] =	sbarrier.arrive $0xFFFF  }
0x5a: {  	s31 =	simm.s32 $0x2;
	[sflag:s2] =	ssyncpa.u1 $0x1  }
0x5b: {  	[sflag:s31] =	ssyncpa.u1 $0x1  }
0x5c: {  	p0 =	sne.s32 s1, $0x0;
	_ =	strace $0x90000047  }
0x5d: {  	s0 =	sadd.s32 @!p0 $0x100000, s0;
	[bflag:$0x2] =	sbarrier.arrive $0xFFFF  }
0x5e: {  	[sflag:s0] =	ssyncadd.tile.s32 @!p0 $0x1;
	_ =	shalt  }
.Lfunc_end1:
_tile_overlayer_lowered:
.L_overlay_start_2:
0x5f: {  	(tag) =	ssettag $0x2  }
0x60: {  	s0 =	rddreg [dreg:$0x0];
	s2 =	stileid.u32  }
0x61: {  	s1 =	rddreg [dreg:$0x1];
	p0 =	sne.s32 s2, $0x0  }
0x62: {  	s3 =	rddreg [dreg:$0x2];
	[bflag:$0x3] =	sbarrier.arrive $0xFFFF;
	s2 =	simm.s32 @!p0 $0x1C01  }
0x63: {  	[timem:s3], [sflag:s2] =	dma.local @!p0 [hbm:s0], s1  }
0x64: {  	s0 =	simm.s32 @!p0 $0x1  }
0x65: {  	_ =	swait.ge @!p0 [sflag:s0], s1  }
0x66: {  	s1 =	ssub.s32 @!p0 $0x0, s1;
	[sflag:s0] =	ssyncset.done @!p0 $0x0  }
0x67: {  	[sflag:s0] =	ssyncadd.s32 @!p0 s1  }
0x68: {  	[bflag:$0x3] =	sbarrier.arrive $0xFFFF  }
0x69: {  	_ =	shalt  }

// kernel: sparse-core-data-format-call.cloned.1.call-start
scs
called_computation_lowered:
.L_overlay_start_0:
0x0: {  	s1 =	sld [smem:$0x3FD9]  }
0x1: {  	s2 =	sld [smem:$0x3FFE];
	_ =	sdelay $0x1  }
0x2: {  	s3 =	srdreg.scid  }
0x3: {  	s0 =	sand.u32 $0x1, s3  }
0x4: {  	s17 =	sshll.u32 s0, $0xA;
	s1 =	sadd.s32 s2, s1  }
0x5: {  	s1 =	sadd.s32 s1, s17  }
0x6: {  	[smem:$0x3FB7] =	sst s1  }
0x7: {  	_ = 	snop  }
0x8: {  	(tm) =	ssettm $0x1  }
0x9: {  	s18 =	sld [smem:$0x3FFB];
	_ =	sdelay $0x3  }
0xa: {  	_ =	strace s18  }
0xb: {  	s1 =	sld [smem:$0x3FFC];
	_ =	sdelay $0x3  }
0xc: {  	_ =	strace s1  }
0xd: {  	s1 =	sld [smem:$0x3FFD];
	_ =	sdelay $0x3  }
0xe: {  	_ =	strace s1  }
0xf: {  	_ =	strace $0x8FFFFFFF  }
0x10: {  	s19 =	sld [smem:$0x3FDB];
	_ =	sdelay $0x1  }
0x11: {  	s20 =	simm.s32 $_scs_section_size  }
0x12: {  	s4 =	simm.s32 $_size__tile_overlayer_lowered;
	s5 =	simm.s32 $_tile_overlayer_lowered  }
0x13: {  	s23 =	simm.s32 $0x1BFF;
	s22 =	sshll.u32 s5, $0x1;
	s1 =	sadd.s32 s20, s19  }
0x14: {  	s6 =	simm.s32 $0x0;
	s21 =	sshll.u32 s4, $0x1;
	s4 =	sadd.s32 s22, s1  }
0x15: {  	[timem:s6], [sflag:s23] =	dma.local [hbm:s4], s21  }
0x16: {  	_ =	swait.ge [sflag:s23], s21  }
0x17: {  	s2 =	ssub.s32 $0x0, s21;
	[sflag:s23] =	ssyncset.done $0x0  }
0x18: {  	[sflag:s23] =	ssyncadd.s32 s2;
	_ =	sdelay $0x1  }
0x19: {  	s24 =	simm.s32 $0x1B8B  }
0x1a: {  	_ =	swait.ge [sflag:s24], $0x1  }
0x1b: {  	[sflag:s24] =	ssyncset.done $0x0  }
0x1c: {  	s26 =	simm.s32 $0x1B8E;
	s25 =	sld [smem:$0x3FFE];
	[sflag:s24] =	ssyncadd.s32 $0xFFFFFFFF  }
0x1d: {  	s27 =	simm.s32 $execute0_lowered;
	[smem:$0x3FD2] =	sst s26  }
0x1e: {  	s4 =	sshll.u32 s27, $0x1;
	_ =	strace $0x8000004F;
	[dreg:$0x1] =	wrdreg $0xFFFFFFFF  }
0x1f: {  	s28 =	simm.s32 $_size_execute0_lowered;
	s1 =	sadd.s32 s1, s4;
	[dreg:$0x0] =	wrdreg $0x0  }
0x20: {  	s4 =	sshll.u32 s28, $0x1;
	[dreg:$0x2] =	wrdreg s1  }
0x21: {  	[dreg:$0x3] =	wrdreg s4  }
0x22: {  	[dreg:$0x4] =	wrdreg $0xC0  }
0x23: {  	_ =	task [dreg:s6], $0x5FFFF  }
0x24: {  	[dreg:$0x1] =	wrdreg $0xFFFFFFFF  }
0x25: {  	[dreg:$0x0] =	wrdreg $0x60  }
0x26: {  	[dreg:$0x2] =	wrdreg s25  }
0x27: {  	[dreg:$0x3] =	wrdreg $0x9  }
0x28: {  	_ =	task.clear_ibuf [dreg:s6], $0x4FFFF;
	_ =	strace $0x9000004F  }
0x29: {  	s29 =	simm.s32 $0x9;
	_ =	strace $0x80000051  }
0x2a: {  	_ =	swait.ge [sflag:s29], $0x1  }
0x2b: {  	[sflag:s29] =	ssyncadd.s32 $0xFFFFFFFF  }
0x2c: {  	_ =	strace $0x90000051  }
0x2d: {  	_ =	sfence  }
0x2e: {  	s30 =	sld [smem:$0x0];
	_ =	sdelay $0x2  }
0x2f: {  	s31 =	sshll.u32 s3, $0xD;
	s3 =	sshrl.u32 s3, $0x2  }
0x30: {  	s2 =	sand.u32 $0x4000, s31;
	s1 =	sadd.s32 s3, s30  }
0x31: {  	s0 =	sor.u32 s2, s0;
	s1 =	sshll.u32 s1, $0x11  }
0x32: {  	s0 =	sor.u32 s1, s0  }
0x33: {  	s0 =	sadd.s32 $0x8F2B, s0  }
0x34: {  	[sflag:s0] =	ssyncadd.remote.s32 $0x1  }
0x35: {  	_ =	sfence.sel $0xFFFF  }
0x36: {  	[dreg:$0x0] =	wrdreg $0xFFFFFFFF;
	(pc) =	sbr.abs _section_cstart, $3  }
0x37: {  	[dreg:$0x1] =	wrdreg $0xFFFFFFFF  }
0x38: {  	_ =	task.clear_ibuf [dreg:s6], $0x2FFFF;
	_ =	strace $0x9FFFFFFF  }
0x39: {  	(tm) =	ssettm $0x7FFFFFFF  }
tec
execute0_lowered:
.L_overlay_start_1:
0x0: {  	(tag) =	ssettag $0x1  }
0x1: {  	s1 =	rddreg [dreg:$0x0]  }
0x2: {  	s0 =	rddreg [dreg:$0x1]  }
0x3: {  	_ =	strace $0x80000050;
	s4 =	srdreg.scid;
	s6 =	simm.s32 $0x2  }
0x4: {  	s12 =	simm.s32 $0x0;
	p0 =	por $0x0, $0x0;
	s13 =	simm.s32 $0x0  }
0x5: {  	s15 =	simm.s32 $0x0;
	s14 =	simm.s32 $0x0;
	s8 =	simm.s32 $0x0  }
.Ltmp0:
0x6: {  	s9 =	simm.s32 $0x0;
	s10 =	simm.s32 $0x0;
	(pc) =	sbr.rel .LBB1_1-.Ltmp0, $4  }
0x7: {  	s2 =	sadd.s32 $0x103600, s1;
	s3 =	sadd.s32 $0x3600, s1;
	s5 =	sshll.u32 s4, $0x4  }
0x8: {  	s1 =	stileid.u32;
	s4 =	simm.s32 $0x1;
	s5 =	sand.u32 $0x10, s5  }
0x9: {  	s7 =	simm.s32 $0x0;
	[sflag:s4] =	ssyncpa.u1 $0x0;
	s5 =	sor.u32 s1, s5  }
0xa: {  	[sflag:s6] =	ssyncpa.u1 $0x0;
	s6 =	simm.s32 $0x2000;
	s11 =	smov.u32 s5  }
.LBB1_7:
0xb: {  	s16 =	sadd.s32 $0x80, s8  }
0xc: {  	s12 =	sadd.s32 $0x20, s9;
	s17 =	smov.u32 s9;
	p2 =	sgt.s32 s16, $0x3FF  }
0xd: {  	s17 =	smov.u32 @p2 s12  }
0xe: {  	s18 =	smov.u32 s10;
	s12 =	sadd.s32 $0x4, s10;
	p3 =	sgt.s32 s17, $0x1F  }
0xf: {  	s18 =	smov.u32 @p3 s12  }
0x10: {  	s19 =	smov.u32 s11;
	s12 =	sadd.s32 $0x20, s11;
	p4 =	sgt.s32 s18, $0x7  }
0x11: {  	p1 =	slt.u32 s7, $0x2;
	s19 =	smov.u32 @p4 s12  }
0x12: {  	s7 =	sadd.s32 $0x1, s7;
	s16 =	simm.s32 @p2 $0x0;
	p2 =	sgt.s32 s19, $0x1F  }
0x13: {  	s20 =	simm.s32 @!p1 $0x2;
	s19 =	smov.u32 @p2 s5;
	p2 =	sne.s32 s7, $0x12  }
.Ltmp1:
0x14: {  	s13 =	smov.u32 s9;
	_ =	swait.ge @!p1 [sflag:s20], $0x4000;
	(pc) =	sbr.rel @!p2 .LBB1_8-.Ltmp1, $4  }
0x15: {  	s15 =	smov.u32 s10;
	s14 =	smov.u32 s11;
	[sflag:s20] =	ssyncset.done @!p1 $0x0  }
0x16: {  	p0 =	por !p0, !p0;
	s17 =	simm.s32 @p3 $0x0;
	[sflag:s20] =	ssyncadd.s32 @!p1 $0xFFFFC000  }
0x17: {  	s9 =	smov.u32 s17;
	s18 =	simm.s32 @p4 $0x0;
	s12 =	smov.u32 s8  }
0x18: {  	s8 =	smov.u32 s16;
	s10 =	smov.u32 s18;
	s11 =	smov.u32 s19  }
.LBB1_1:
0x19: {  	p1 =	sgt.u32 s7, $0xF  }
0x1a: {  	s16 =	sxor.u32 @!p1 $0xFFFFFFFF, s7;
	s17 =	sshll.u32 @!p1 s9, $0x7;
	s18 =	sand.u32 @!p1 $0x78, s8  }
0x1b: {  	s20 =	sshll.u32 @!p1 s10, $0xC;
	s16 =	sshll.u32 @!p1 s16, $0xE;
	s19 =	sand.u32 @!p1 $0x380, s17  }
0x1c: {  	s17 =	sand.u32 @!p1 $0xC00, s17;
	s18 =	sor.u32 @!p1 s18, s19;
	s19 =	sshll.u32 @!p1 s11, $0xF  }
0x1d: {  	s16 =	sand.u32 @!p1 $0x4000, s16;
	s17 =	sadd.s32 @!p1 s8, s17;
	s19 =	sadd.s32 @!p1 s2, s19  }
0x1e: {  	s18 =	sshrl.u32 @!p1 s18, $0x3;
	s19 =	sadd.s32 @!p1 s20, s19;
	s20 =	sand.u32 @!p1 $0x7, s8  }
0x1f: {  	s17 =	sand.u32 @!p1 $0xF80, s17;
	s18 =	sadd.s32 @!p1 s18, s19;
	s19 =	sshll.u32 @!p1 s20, $0x12  }
0x20: {  	s17 =	sadd.s32 @!p1 s17, s18;
	s18 =	sor.u32 @!p1 $0x400, s19;
	s19 =	simm.s32 @!p1 $0x2000  }
0x21: {  	[tilespmem:s16], [sflag:$0x1] =	stream.strided.gather @!p1 [hbm4b:s17+s18], $0x4000, s19, s18, $0x38;
	[tilespmem:$0x10000] =	vst v63  }
0x22: {  	p1 =	seq.s32 s7, $0x0  }
0x23: {  	p2 =	seq.s32 @!p1 s7, $0x11  }
0x24: {  	p1 =	por p1, p2  }
.Ltmp2:
0x25: {  	_ = 	snop;
	(pc) =	sbr.rel @p1 .LBB1_7-.Ltmp2, $1  }
0x26: {  	_ =	sdelay $0x3  }
0x27: {  	s16 =	simm.s32 $0x1;
	_ =	swait.ge [sflag:s4], $0x4000;
	s19 =	sshll.u32 s7, $0xE  }
0x28: {  	s16 =	simm.s32 @!p0 $0x0;
	[sflag:s4] =	ssyncset.done $0x0;
	s31 =	sand.u32 $0x4000, s19  }
0x29: {  	s19 =	simm.s32 $0x0;
	s16 =	sshll.u32 s16, $0xE;
	[sflag:s4] =	ssyncadd.s32 $0xFFFFC000  }
0x2a: {  	s17 =	sor.u32 $0x8040, s16;
	s18 =	sor.u32 $0x40, s16;
	s16 =	sor.u32 $0x8000, s31  }
.LBB1_3:
0x2b: {  	v0 =	vmov s18;
	_ =	sdelay $0x3  }
0x2c: {  	s21 =	simm.s32 $0x0  }
0x2d: {  	v6 =	vld.idx.msk [tilespmem:v0+s21+$0x30 ss:$0x1], $0xffff  }
0x2e: {  	v7 =	vld.idx.msk [tilespmem:v0+s21+$0xFFFFFFC0 ss:$0x1], $0xffff  }
0x2f: {  	v5 =	vld.idx.msk [tilespmem:v0+s21+$0xFFFFFFD0 ss:$0x1], $0xffff  }
0x30: {  	v4 =	vld.idx.msk [tilespmem:v0+s21+$0xFFFFFFE0 ss:$0x1], $0xffff  }
0x31: {  	v3 =	vld.idx.msk [tilespmem:v0+s21+$0xFFFFFFF0 ss:$0x1], $0xffff  }
0x32: {  	v1 =	vld.idx.msk [tilespmem:v0+s21+$0x0 ss:$0x1], $0xffff  }
0x33: {  	v2 =	vld.idx.msk [tilespmem:v0+s21+$0x10 ss:$0x1], $0xffff;
	[tilespmem:s17+$0x30] =	vst v6  }
0x34: {  	s20 =	simm.s32 $0x80;
	s22 =	simm.s32 $0x400;
	[tilespmem:s17+$0xFFFFFFC0] =	vst v7;
	v6 =	vld.idx.msk [tilespmem:v0+s21+$0x20 ss:$0x1], $0xffff;
	s21 =	smov.u32 s17  }
.LBB1_4:
0x35: {  	p1 =	sne.s32 s22, $0x3E00;
	v7 =	vld.idx.msk [tilespmem:v0+s20+$0x30 ss:$0x1], $0xffff;
	[tilespmem:s21+$0xFFFFFFD0] =	vst v5  }
0x36: {  	v8 =	vld.idx.msk [tilespmem:v0+s20+$0xFFFFFFC0 ss:$0x1], $0xffff;
	[tilespmem:s21+$0xFFFFFFE0] =	vst v4  }
0x37: {  	v5 =	vld.idx.msk [tilespmem:v0+s20+$0xFFFFFFD0 ss:$0x1], $0xffff;
	[tilespmem:s21+$0xFFFFFFF0] =	vst v3  }
.Ltmp3:
0x38: {  	v4 =	vld.idx.msk [tilespmem:v0+s20+$0xFFFFFFE0 ss:$0x1], $0xffff;
	[tilespmem:s21+$0x0] =	vst v1;
	(pc) =	sbr.rel @p1 .LBB1_4-.Ltmp3, $4  }
0x39: {  	v3 =	vld.idx.msk [tilespmem:v0+s20+$0xFFFFFFF0 ss:$0x1], $0xffff;
	[tilespmem:s21+$0x10] =	vst v2  }
0x3a: {  	v1 =	vld.idx.msk [tilespmem:v0+s20+$0x0 ss:$0x1], $0xffff;
	[tilespmem:s21+$0x20] =	vst v6;
	s21 =	sadd.s32 $0x200, s21  }
0x3b: {  	v2 =	vld.idx.msk [tilespmem:v0+s20+$0x10 ss:$0x1], $0xffff;
	[tilespmem:s21+$0x30] =	vst v7  }
0x3c: {  	[tilespmem:s21+$0xFFFFFFC0] =	vst v8;
	v6 =	vld.idx.msk [tilespmem:v0+s20+$0x20 ss:$0x1], $0xffff;
	s20 =	sshra.s32 s22, $0x2;
	s22 =	sadd.s32 $0x200, s22  }
0x3d: {  	_ =	sdelay $0x2  }
0x3e: {  	[tilespmem:s21+$0xFFFFFFD0] =	vst v5  }
0x3f: {  	v56 =	vld.idx.msk [tilespmem:v0+s20+$0x30 ss:$0x1], $0xffff;
	[tilespmem:s21+$0xFFFFFFE0] =	vst v4  }
0x40: {  	v57 =	vld.idx.msk [tilespmem:v0+s20+$0xFFFFFFC0 ss:$0x1], $0xffff;
	[tilespmem:s21+$0xFFFFFFF0] =	vst v3  }
0x41: {  	v58 =	vld.idx.msk [tilespmem:v0+s20+$0xFFFFFFD0 ss:$0x1], $0xffff;
	[tilespmem:s21+$0x0] =	vst v1  }
0x42: {  	v59 =	vld.idx.msk [tilespmem:v0+s20+$0xFFFFFFE0 ss:$0x1], $0xffff;
	[tilespmem:s21+$0x10] =	vst v2  }
0x43: {  	v60 =	vld.idx.msk [tilespmem:v0+s20+$0xFFFFFFF0 ss:$0x1], $0xffff;
	s31 =	sadd.s32 $0x200, s21;
	[tilespmem:s21+$0x20] =	vst v6  }
0x44: {  	v61 =	vld.idx.msk [tilespmem:v0+s20+$0x0 ss:$0x1], $0xffff;
	[tilespmem:s31+$0x30] =	vst v56  }
0x45: {  	v62 =	vld.idx.msk [tilespmem:v0+s20+$0x10 ss:$0x1], $0xffff;
	s19 =	sadd.s32 $0x1, s19;
	[tilespmem:s31+$0xFFFFFFC0] =	vst v57  }
0x46: {  	v63 =	vld.idx.msk [tilespmem:v0+s20+$0x20 ss:$0x1], $0xffff;
	p1 =	sne.s32 s19, $0x4;
	[tilespmem:s31+$0xFFFFFFD0] =	vst v58  }
.Ltmp4:
0x47: {  	[tilespmem:s31+$0xFFFFFFE0] =	vst v59;
	(pc) =	sbr.rel @p1 .LBB1_3-.Ltmp4, $4  }
0x48: {  	[tilespmem:s31+$0xFFFFFFF0] =	vst v60  }
0x49: {  	[tilespmem:s31+$0x0] =	vst v61  }
0x4a: {  	[tilespmem:s31+$0x10] =	vst v62  }
0x4b: {  	s17 =	sadd.s32 $0x80, s17;
	s18 =	sadd.s32 $0x1000, s18;
	[tilespmem:s31+$0x20] =	vst v63  }
0x4c: {  	s15 =	sshll.u32 s15, $0x7;
	s17 =	sand.u32 $0x78, s12  }
0x4d: {  	s14 =	sshll.u32 s14, $0xF;
	s13 =	sshll.u32 s13, $0xA;
	s29 =	sand.u32 $0x380, s12  }
.Ltmp5:
0x4e: {  	s15 =	sand.u32 $0x380, s15;
	s14 =	sadd.s32 s3, s14;
	(pc) =	sbr.rel .LBB1_7-.Ltmp5, $4  }
0x4f: {  	s30 =	sand.u32 $0x7, s12;
	s15 =	sor.u32 s15, s17;
	s13 =	sadd.s32 s13, s14  }
0x50: {  	s12 =	sshll.u32 s30, $0x12;
	s31 =	sshrl.u32 s15, $0x3;
	s13 =	sadd.s32 s29, s13  }
0x51: {  	s12 =	sor.u32 $0x200, s12;
	s13 =	sadd.s32 s31, s13  }
0x52: {  	[hbm4b:s13+s12] =	stream.strided.scatter [tilespmem:s16], [sflag:$0x2], $0x4000, s6, s12, $0x38;
	[tilespmem:$0x10000] =	vst v63  }
.LBB1_8:
0x53: {  	_ =	sfence.sel $0x180000  }
0x54: {  	s2 =	simm.s32 $0x1;
	[bflag:$0x0] =	sbarrier.arrive $0xFFFF  }
0x55: {  	s31 =	simm.s32 $0x2;
	[sflag:s2] =	ssyncpa.u1 $0x1  }
0x56: {  	[sflag:s31] =	ssyncpa.u1 $0x1  }
0x57: {  	p0 =	sne.s32 s1, $0x0;
	_ =	strace $0x90000050  }
0x58: {  	s0 =	sadd.s32 @!p0 $0x100000, s0;
	[bflag:$0x2] =	sbarrier.arrive $0xFFFF  }
0x59: {  	[sflag:s0] =	ssyncadd.tile.s32 @!p0 $0x1;
	_ =	shalt  }
.Lfunc_end1:
_tile_overlayer_lowered:
.L_overlay_start_2:
0x5a: {  	(tag) =	ssettag $0x2  }
0x5b: {  	s0 =	rddreg [dreg:$0x0];
	s2 =	stileid.u32  }
0x5c: {  	s1 =	rddreg [dreg:$0x1];
	p0 =	sne.s32 s2, $0x0  }
0x5d: {  	s3 =	rddreg [dreg:$0x2];
	[bflag:$0x3] =	sbarrier.arrive $0xFFFF;
	s2 =	simm.s32 @!p0 $0x1C01  }
0x5e: {  	[timem:s3], [sflag:s2] =	dma.local @!p0 [hbm:s0], s1  }
0x5f: {  	s0 =	simm.s32 @!p0 $0x1  }
0x60: {  	_ =	swait.ge @!p0 [sflag:s0], s1  }
0x61: {  	s1 =	ssub.s32 @!p0 $0x0, s1;
	[sflag:s0] =	ssyncset.done @!p0 $0x0  }
0x62: {  	[sflag:s0] =	ssyncadd.s32 @!p0 s1  }
0x63: {  	[bflag:$0x3] =	sbarrier.arrive $0xFFFF  }
0x64: {  	_ =	shalt  }

</sc_bundles>
